<compile_context>
chip_gen: v7x
topology: tpu7x:2x2x1
jax: 0.10.2.dev20260603
libtpu: 0.0.44.dev20260713+nightly
codegen_flags: <defaults>
</compile_context>

<pallas_src>
import jax
import jax.numpy as jnp
from jax import lax
from jax.experimental import pallas as pl
from jax.experimental.pallas import tpu as pltpu
from jax.experimental.pallas import tpu_sc as plsc

N = 10000
E = 320000
D = 128
NC = 2
NS = 16
NW = NC * NS
CHUNK = 128
EP = NW * 10240
EPW = EP // NW
ITERS = EPW // CHUNK
CROWS = EP // CHUNK
CPS = ITERS
NHALF = 2
KG = ITERS // NHALF
NPAIR_H = KG // 2
NA = 10240
RPS = NA // NS
NHI = NA // 128

_f32 = jnp.float32


def _sc_aggregate(feat, dst2, zeros, src2):
  mesh = plsc.VectorSubcoreMesh(core_axis_name="c", subcore_axis_name="s")

  scratch = [
      pltpu.VMEM_SHARED((NA, D), _f32),
      pltpu.VMEM((KG, CHUNK), jnp.int32),
      pltpu.VMEM((KG, CHUNK), jnp.int32),
      pltpu.VMEM((CHUNK, D), _f32),
      pltpu.VMEM((CHUNK, D), _f32),
      pltpu.SemaphoreType.DMA,
      pltpu.SemaphoreType.DMA,
      pltpu.SemaphoreType.DMA,
      pltpu.SemaphoreType.DMA,
  ]

  def body(feat_hbm, dst_hbm, zeros_hbm, src_hbm, p0_hbm, p1_hbm,
           acc, dst_v, src_v, rowsA, rowsB, ssA, ssB, gsA, gsB):
    rows_v = (rowsA, rowsB)
    gsem = (gsA, gsB)
    ssem = (ssA, ssB)
    c = lax.axis_index("c")
    s = lax.axis_index("s")
    wid = c * NS + s
    r0 = s * RPS

    def gather(x, j):
      pltpu.async_copy(feat_hbm.at[src_v.at[j]], rows_v[x], gsem[x])

    def scatter(x, j):
      pltpu.make_async_copy(feat_hbm.at[src_v.at[j]], rows_v[x],
                            gsem[x]).wait()
      pltpu.async_copy(rows_v[x], acc.at[dst_v.at[j]], ssem[x], add=True)

    def wait_scatter(x, j):
      pltpu.make_async_copy(rows_v[x], acc.at[dst_v.at[j]],
                            ssem[x]).wait()

    pltpu.sync_copy(zeros_hbm.at[pl.ds(r0, RPS)], acc.at[pl.ds(r0, RPS)])
    plsc.subcore_barrier()

    @pl.loop(0, NHALF)
    def _(half):
      base = wid * CPS + half * KG
      pltpu.sync_copy(dst_hbm.at[pl.ds(base, KG)], dst_v)
      pltpu.sync_copy(src_hbm.at[pl.ds(base, KG)], src_v)

      gather(0, 0)

      @pl.loop(0, NPAIR_H)
      def _(k):
        cA = 2 * k
        cB = 2 * k + 1
        cA2 = 2 * k + 2

        @pl.when(k > 0)
        def _():
          wait_scatter(1, cB - 2)

        gather(1, cB)
        scatter(0, cA)

        @pl.when(k + 1 < NPAIR_H)
        def _():
          wait_scatter(0, cA)
          gather(0, cA2)

        scatter(1, cB)

      wait_scatter(0, KG - 2)
      wait_scatter(1, KG - 1)

    plsc.subcore_barrier()

    @pl.when(c == 0)
    def _():
      pltpu.sync_copy(acc.at[pl.ds(r0, RPS)], p0_hbm.at[pl.ds(r0, RPS)])

    @pl.when(c == 1)
    def _():
      pltpu.sync_copy(acc.at[pl.ds(r0, RPS)], p1_hbm.at[pl.ds(r0, RPS)])

  fn = pl.kernel(body,
                 out_type=(jax.ShapeDtypeStruct((NA, D), _f32),
                           jax.ShapeDtypeStruct((NA, D), _f32)),
                 mesh=mesh, scratch_types=tuple(scratch))
  return fn(feat, dst2, zeros, src2)


EB = 8000


def _deg_body(dst_blk, out):
  i = pl.program_id(0)
  d = dst_blk[...]
  hi = d // 128
  lo = d % 128
  ihi = lax.broadcasted_iota(jnp.int32, (1, NHI), 1)
  ilo = lax.broadcasted_iota(jnp.int32, (1, 128), 1)
  oh_hi = (hi == ihi).astype(jnp.bfloat16)
  oh_lo = (lo == ilo).astype(jnp.bfloat16)
  part = lax.dot_general(oh_hi, oh_lo, (((0,), (0,)), ((), ())),
                         preferred_element_type=_f32)

  @pl.when(i == 0)
  def _():
    out[...] = jnp.zeros_like(out)

  out[...] += part


def _degrees(dst):
  deg2d = pl.pallas_call(
      _deg_body,
      grid=(E // EB,),
      in_specs=[pl.BlockSpec((EB, 1), lambda i: (i, 0))],
      out_specs=pl.BlockSpec((NHI, 128), lambda i: (0, 0)),
      out_shape=jax.ShapeDtypeStruct((NHI, 128), _f32),
  )(dst.reshape(E, 1))
  return deg2d.reshape(NA, 1)


def _dot_t(a, w):
  return lax.dot_general(a, w, (((1,), (1,)), ((), ())),
                         precision=lax.Precision.HIGHEST,
                         preferred_element_type=_f32)


BLK = 2000


def _tc1_body(agg0, agg1, deg, x, wl, bl, wr, out):
  d = jnp.maximum(deg[...], 1.0)
  agg = (agg0[...] + agg1[...]) / d
  t = _dot_t(agg, wl[...]) + bl[...] + _dot_t(x[...], wr[...])
  out[...] = jnp.maximum(t, 0.0)


def _tc2_body(agg0, agg1, deg, h, wl, bl, wr,
              w1, b1, w2, b2, w3, b3, qp_out, h2_out):
  d = jnp.maximum(deg[...], 1.0)
  agg = (agg0[...] + agg1[...]) / d
  h2 = jnp.maximum(_dot_t(agg, wl[...]) + bl[...] + _dot_t(h[...], wr[...]),
                   0.0)
  h2_out[...] = h2
  q = jnp.maximum(_dot_t(h2, w1[...]) + b1[...], 0.0)
  q = jnp.maximum(_dot_t(q, w2[...]) + b2[...], 0.0)
  qp_out[...] = _dot_t(q, w3[...]) + b3[...]


def _row_spec(cols):
  return pl.BlockSpec((BLK, cols), lambda i: (i, 0))


def _full_spec(shape):
  return pl.BlockSpec(shape, lambda i: tuple(0 for _ in shape))


def kernel(x, edge_index, Wl1, bl1, Wr1, Wl2, bl2, Wr2,
           W1, b1, W2, b2, W3, b3):
  edge_index = edge_index.astype(jnp.int32)
  src = edge_index[0]
  dst = edge_index[1]
  zeros = jnp.zeros((NA, D), _f32)

  pad = EP - E
  pad_iota = jnp.arange(pad, dtype=jnp.int32)
  src2 = jnp.concatenate([src, pad_iota % N]).reshape(CROWS, CHUNK)
  dst2 = jnp.concatenate([dst, N + pad_iota % (NA - N)]).reshape(
      CROWS, CHUNK)

  deg = _degrees(dst)
  p0, p1 = _sc_aggregate(x, dst2, zeros, src2)

  grid = (N // BLK,)
  h = pl.pallas_call(
      _tc1_body,
      grid=grid,
      in_specs=[
          _row_spec(D), _row_spec(D), _row_spec(1), _row_spec(D),
          _full_spec((D, D)), _full_spec((1, D)), _full_spec((D, D)),
      ],
      out_specs=_row_spec(D),
      out_shape=jax.ShapeDtypeStruct((N, D), _f32),
  )(p0, p1, deg, x, Wl1, bl1.reshape(1, D), Wr1)

  p0, p1 = _sc_aggregate(h, dst2, zeros, src2)

  qp, h2 = pl.pallas_call(
      _tc2_body,
      grid=grid,
      in_specs=[
          _row_spec(D), _row_spec(D), _row_spec(1), _row_spec(D),
          _full_spec((D, D)), _full_spec((1, D)), _full_spec((D, D)),
          _full_spec((128, D)), _full_spec((1, 128)),
          _full_spec((64, 128)), _full_spec((1, 64)),
          _full_spec((10, 64)), _full_spec((1, 10)),
      ],
      out_specs=[_row_spec(10), _row_spec(D)],
      out_shape=[jax.ShapeDtypeStruct((N, 10), _f32),
                 jax.ShapeDtypeStruct((N, D), _f32)],
  )(p0, p1, deg, h, Wl2, bl2.reshape(1, D), Wr2,
    W1, b1.reshape(1, 128), W2, b2.reshape(1, 64), W3, b3.reshape(1, 10))

  return (qp, h2)

# --- scband reference (transcript-rebuilt; emitter-appended) ---
"""Pipeline reference for scband-prgnn-26336739459481 (READ-ONLY COPY).

The authoritative reference and input builder live on the scoring server;
editing this copy changes nothing except your own understanding.
"""

import jax, jax.numpy as jnp
import numpy as np

N = 10000
E = 320000
D = 128
H = 128
OUT = 10


def setup_inputs(seed: int = 0) -> dict:
    key = jax.random.key(seed)
    ks = jax.random.split(key, 16)
    def lin(k, out_d, in_d):
        return (jax.random.normal(k, (out_d, in_d), jnp.float32) / np.sqrt(in_d)).astype(jnp.float32)
    inp = {
        "x": jax.random.normal(ks[0], (N, D), jnp.float32),
        "edge_index": jax.random.randint(ks[1], (2, E), 0, N),
        # SAGEConv1: lin_l (applied to aggregated neighbors, has bias), lin_r (applied to self, no bias)
        "Wl1": lin(ks[2], H, D),
        "bl1": jnp.zeros((H,), jnp.float32),
        "Wr1": lin(ks[3], H, D),
        # SAGEConv2
        "Wl2": lin(ks[4], H, H),
        "bl2": jnp.zeros((H,), jnp.float32),
        "Wr2": lin(ks[5], H, H),
        # MLP decoder: H -> 128 -> 64 -> OUT
        "W1": lin(ks[6], 128, H),
        "b1": jnp.zeros((128,), jnp.float32),
        "W2": lin(ks[7], 64, 128),
        "b2": jnp.zeros((64,), jnp.float32),
        "W3": lin(ks[8], OUT, 64),
        "b3": jnp.zeros((OUT,), jnp.float32),
    }
    return inp


def _sage_conv(x, edge_index, Wl, bl, Wr):
    src = edge_index[0]
    dst = edge_index[1]
    msg = jnp.take(x, src, axis=0)
    agg = jax.ops.segment_sum(msg, dst, num_segments=N)
    deg = jax.ops.segment_sum(jnp.ones((edge_index.shape[1],), x.dtype), dst, num_segments=N)
    agg = agg / jnp.clip(deg, 1.0)[:, None]
    return agg @ Wl.T + bl + x @ Wr.T


def reference(x, edge_index, Wl1, bl1, Wr1, Wl2, bl2, Wr2, W1, b1, W2, b2, W3, b3):
    # GraphSAGEEncoder
    h = jax.nn.relu(_sage_conv(x, edge_index, Wl1, bl1, Wr1))
    h = jax.nn.relu(_sage_conv(h, edge_index, Wl2, bl2, Wr2))
    # MLPDecoder
    q = jax.nn.relu(h @ W1.T + b1)
    q = jax.nn.relu(q @ W2.T + b2)
    q_pred = q @ W3.T + b3
    return (q_pred, h)

if __name__ == "__main__":
    import jax
    _d = setup_inputs()
    print(jax.jit(kernel)(*tuple(_d.values())))

</pallas_src>

<mosaic_0001>
#map = affine_map<(d0, d1) -> (0, 0)>
module attributes {stable_mosaic.version = 14 : i64} {
  func.func @body(%arg0: i32, %arg1: i32, %arg2: memref<10000x128xf32, #tpu.memory_space<hbm>>, %arg3: memref<2560x128xi32, #tpu.memory_space<hbm>>, %arg4: memref<10240x128xf32, #tpu.memory_space<hbm>>, %arg5: memref<2560x128xi32, #tpu.memory_space<hbm>>, %arg6: memref<10240x128xf32, #tpu.memory_space<hbm>>, %arg7: memref<10240x128xf32, #tpu.memory_space<hbm>>, %arg8: memref<10240x128xf32, #tpu.memory_space<vmem_shared>>, %arg9: memref<40x128xi32, #tpu.memory_space<vmem>>, %arg10: memref<40x128xi32, #tpu.memory_space<vmem>>, %arg11: memref<128x128xf32, #tpu.memory_space<vmem>>, %arg12: memref<128x128xf32, #tpu.memory_space<vmem>>, %arg13: memref<!tpu.dma_semaphore, #tpu.memory_space<semaphore_mem>>, %arg14: memref<!tpu.dma_semaphore, #tpu.memory_space<semaphore_mem>>, %arg15: memref<!tpu.dma_semaphore, #tpu.memory_space<semaphore_mem>>, %arg16: memref<!tpu.dma_semaphore, #tpu.memory_space<semaphore_mem>>) attributes {dimension_semantics = [#tpu.dimension_semantics<core_parallel>, #tpu.dimension_semantics<subcore_parallel>], iteration_bounds = array<i64: 2, 16>, scalar_prefetch = 0 : i64, scratch_operands = 9 : i64, tpu.core_type = #tpu.core_type<sc_vector_subcore>, window_params = [{transform_indices = #map}, {transform_indices = #map}, {transform_indices = #map}, {transform_indices = #map}, {transform_indices = #map}, {transform_indices = #map}]} {
    %mul3A = arith.constant 16 : i32
    %mul3A_0 = arith.muli %arg0, %mul3A : i32
    %add3A = arith.addi %mul3A_0, %arg1 : i32
    %mul3A_1 = arith.constant 640 : i32
    %mul3A_2 = arith.muli %arg1, %mul3A_1 : i32
    "tpu.region"() ({
      %run_scoped3A = tpu.sem_alloc : memref<!tpu.dma_semaphore, #tpu.memory_space<semaphore_mem>>
      %dma_start3A = arith.constant 0 : i32
      %dma_start3A_15 = tpu.memref_slice %arg8[%mul3A_2, %dma_start3A] : memref<10240x128xf32, #tpu.memory_space<vmem_shared>> -> memref<640x128xf32, #tpu.memory_space<vmem_shared>>
      %dma_start3A_16 = arith.constant 0 : i32
      %dma_start3A_17 = tpu.memref_slice %arg4[%mul3A_2, %dma_start3A_16] : memref<10240x128xf32, #tpu.memory_space<hbm>> -> memref<640x128xf32, #tpu.memory_space<hbm>>
      tpu.enqueue_dma source(%dma_start3A_17 : memref<640x128xf32, #tpu.memory_space<hbm>>) target(%dma_start3A_15 : memref<640x128xf32, #tpu.memory_space<vmem_shared>>) target_semaphore(%run_scoped3A : memref<!tpu.dma_semaphore, #tpu.memory_space<semaphore_mem>>)
      %dma_wait3A = arith.constant 0 : i32
      %dma_wait3A_18 = tpu.memref_slice %arg8[%mul3A_2, %dma_wait3A] : memref<10240x128xf32, #tpu.memory_space<vmem_shared>> -> memref<640x128xf32, #tpu.memory_space<vmem_shared>>
      %dma_wait3A_19 = arith.constant 0 : i32
      %dma_wait3A_20 = tpu.memref_slice %arg4[%mul3A_2, %dma_wait3A_19] : memref<10240x128xf32, #tpu.memory_space<hbm>> -> memref<640x128xf32, #tpu.memory_space<hbm>>
      tpu.wait_dma2 semaphore(%run_scoped3A : memref<!tpu.dma_semaphore, #tpu.memory_space<semaphore_mem>>) src(%dma_wait3A_20 : memref<640x128xf32, #tpu.memory_space<hbm>>) dst(%dma_wait3A_18 : memref<640x128xf32, #tpu.memory_space<vmem_shared>>)
      tpu.yield
    }) : () -> ()
    %barrier3A = arith.constant 0 : index
    tpu.barrier barrier_id(%barrier3A)
    %scan3A = arith.constant 0 : i32
    %scan3A_3 = arith.constant 2 : i32
    %scan3A_4 = arith.addi %scan3A, %scan3A_3 : i32
    %scan3A_5 = arith.constant 1 : i32
    scf.for %scan3A_15 = %scan3A to %scan3A_4 step %scan3A_5  : i32 {
      %mul3A_16 = arith.constant 1 : i32
      %mul3A_17 = arith.muli %scan3A_15, %mul3A_16 : i32
      %add3A_18 = arith.constant 0 : i32
      %add3A_19 = arith.addi %add3A_18, %mul3A_17 : i32
      %mul3A_20 = arith.constant 80 : i32
      %mul3A_21 = arith.muli %add3A, %mul3A_20 : i32
      %mul3A_22 = arith.constant 40 : i32
      %mul3A_23 = arith.muli %add3A_19, %mul3A_22 : i32
      %add3A_24 = arith.addi %mul3A_21, %mul3A_23 : i32
      "tpu.region"() ({
        %run_scoped3A = tpu.sem_alloc : memref<!tpu.dma_semaphore, #tpu.memory_space<semaphore_mem>>
        %dma_start3A_49 = arith.constant 0 : i32
        %dma_start3A_50 = tpu.memref_slice %arg3[%add3A_24, %dma_start3A_49] : memref<2560x128xi32, #tpu.memory_space<hbm>> -> memref<40x128xi32, #tpu.memory_space<hbm>>
        %dma_start3A_51 = arith.constant 0 : i32
        %dma_start3A_52 = tpu.memref_slice %arg3[%add3A_24, %dma_start3A_51] : memref<2560x128xi32, #tpu.memory_space<hbm>> -> memref<40x128xi32, #tpu.memory_space<hbm>>
        tpu.enqueue_dma source(%dma_start3A_52 : memref<40x128xi32, #tpu.memory_space<hbm>>) target(%arg9 : memref<40x128xi32, #tpu.memory_space<vmem>>) target_semaphore(%run_scoped3A : memref<!tpu.dma_semaphore, #tpu.memory_space<semaphore_mem>>)
        %dma_wait3A_53 = arith.constant 0 : i32
        %dma_wait3A_54 = tpu.memref_slice %arg3[%add3A_24, %dma_wait3A_53] : memref<2560x128xi32, #tpu.memory_space<hbm>> -> memref<40x128xi32, #tpu.memory_space<hbm>>
        %dma_wait3A_55 = arith.constant 0 : i32
        %dma_wait3A_56 = tpu.memref_slice %arg3[%add3A_24, %dma_wait3A_55] : memref<2560x128xi32, #tpu.memory_space<hbm>> -> memref<40x128xi32, #tpu.memory_space<hbm>>
        tpu.wait_dma2 semaphore(%run_scoped3A : memref<!tpu.dma_semaphore, #tpu.memory_space<semaphore_mem>>) src(%dma_wait3A_56 : memref<40x128xi32, #tpu.memory_space<hbm>>) dst(%arg9 : memref<40x128xi32, #tpu.memory_space<vmem>>)
        tpu.yield
      }) : () -> ()
      "tpu.region"() ({
        %run_scoped3A = tpu.sem_alloc : memref<!tpu.dma_semaphore, #tpu.memory_space<semaphore_mem>>
        %dma_start3A_49 = arith.constant 0 : i32
        %dma_start3A_50 = tpu.memref_slice %arg5[%add3A_24, %dma_start3A_49] : memref<2560x128xi32, #tpu.memory_space<hbm>> -> memref<40x128xi32, #tpu.memory_space<hbm>>
        %dma_start3A_51 = arith.constant 0 : i32
        %dma_start3A_52 = tpu.memref_slice %arg5[%add3A_24, %dma_start3A_51] : memref<2560x128xi32, #tpu.memory_space<hbm>> -> memref<40x128xi32, #tpu.memory_space<hbm>>
        tpu.enqueue_dma source(%dma_start3A_52 : memref<40x128xi32, #tpu.memory_space<hbm>>) target(%arg10 : memref<40x128xi32, #tpu.memory_space<vmem>>) target_semaphore(%run_scoped3A : memref<!tpu.dma_semaphore, #tpu.memory_space<semaphore_mem>>)
        %dma_wait3A_53 = arith.constant 0 : i32
        %dma_wait3A_54 = tpu.memref_slice %arg5[%add3A_24, %dma_wait3A_53] : memref<2560x128xi32, #tpu.memory_space<hbm>> -> memref<40x128xi32, #tpu.memory_space<hbm>>
        %dma_wait3A_55 = arith.constant 0 : i32
        %dma_wait3A_56 = tpu.memref_slice %arg5[%add3A_24, %dma_wait3A_55] : memref<2560x128xi32, #tpu.memory_space<hbm>> -> memref<40x128xi32, #tpu.memory_space<hbm>>
        tpu.wait_dma2 semaphore(%run_scoped3A : memref<!tpu.dma_semaphore, #tpu.memory_space<semaphore_mem>>) src(%dma_wait3A_56 : memref<40x128xi32, #tpu.memory_space<hbm>>) dst(%arg10 : memref<40x128xi32, #tpu.memory_space<vmem>>)
        tpu.yield
      }) : () -> ()
      %dma_start3A = arith.constant 0 : i32
      %dma_start3A_25 = arith.constant 0 : i32
      %dma_start3A_26 = tpu.memref_slice %arg10[%dma_start3A, %dma_start3A_25] : memref<40x128xi32, #tpu.memory_space<vmem>> -> memref<1x128xi32, #tpu.memory_space<vmem>>
      %dma_start3A_27 = tpu.memref_squeeze %dma_start3A_26 : memref<1x128xi32, #tpu.memory_space<vmem>> -> memref<128xi32, #tpu.memory_space<vmem>>
      %dma_start3A_28 = arith.constant 0 : i32
      %dma_start3A_29 = arith.constant 0 : i32
      %dma_start3A_30 = tpu.memref_slice %arg2[%dma_start3A_28, %dma_start3A_29] : memref<10000x128xf32, #tpu.memory_space<hbm>> -> memref<10000x128xf32, #tpu.memory_space<hbm>>
      tpu.enqueue_indirect_dma source(%dma_start3A_30 : memref<10000x128xf32, #tpu.memory_space<hbm>>) target(%arg11 : memref<128x128xf32, #tpu.memory_space<vmem>>) offsets(%dma_start3A_27 : memref<128xi32, #tpu.memory_space<vmem>>) semaphore(%arg15 : memref<!tpu.dma_semaphore, #tpu.memory_space<semaphore_mem>>)
      %scan3A_31 = arith.constant 0 : i32
      %scan3A_32 = arith.constant 20 : i32
      %scan3A_33 = arith.addi %scan3A_31, %scan3A_32 : i32
      %scan3A_34 = arith.constant 1 : i32
      scf.for %scan3A_49 = %scan3A_31 to %scan3A_33 step %scan3A_34  : i32 {
        %mul3A_50 = arith.constant 1 : i32
        %mul3A_51 = arith.muli %scan3A_49, %mul3A_50 : i32
        %add3A_52 = arith.constant 0 : i32
        %add3A_53 = arith.addi %add3A_52, %mul3A_51 : i32
        %mul3A_54 = arith.constant 2 : i32
        %mul3A_55 = arith.muli %mul3A_54, %add3A_53 : i32
        %mul3A_56 = arith.constant 2 : i32
        %mul3A_57 = arith.muli %mul3A_56, %add3A_53 : i32
        %add3A_58 = arith.constant 1 : i32
        %add3A_59 = arith.addi %mul3A_57, %add3A_58 : i32
        %mul3A_60 = arith.constant 2 : i32
        %mul3A_61 = arith.muli %mul3A_60, %add3A_53 : i32
        %add3A_62 = arith.constant 2 : i32
        %add3A_63 = arith.addi %mul3A_61, %add3A_62 : i32
        %gt3A = arith.constant 0 : i32
        %gt3A_64 = arith.cmpi sgt, %add3A_53, %gt3A : i32
        %convert_element_type3A_65 = arith.extui %gt3A_64 : i1 to i32
        %cond3A_66 = arith.constant 0 : i32
        %cond3A_67 = arith.cmpi ne, %convert_element_type3A_65, %cond3A_66 : i32
        scf.if %cond3A_67 {
          %sub3A = arith.constant 2 : i32
          %sub3A_104 = arith.subi %add3A_59, %sub3A : i32
          %dma_wait3A_105 = arith.constant 0 : i32
          %dma_wait3A_106 = tpu.memref_slice %arg9[%sub3A_104, %dma_wait3A_105] : memref<40x128xi32, #tpu.memory_space<vmem>> -> memref<1x128xi32, #tpu.memory_space<vmem>>
          %dma_wait3A_107 = tpu.memref_squeeze %dma_wait3A_106 : memref<1x128xi32, #tpu.memory_space<vmem>> -> memref<128xi32, #tpu.memory_space<vmem>>
          %dma_wait3A_108 = arith.constant 0 : i32
          %dma_wait3A_109 = arith.constant 0 : i32
          %dma_wait3A_110 = tpu.memref_slice %arg8[%dma_wait3A_108, %dma_wait3A_109] : memref<10240x128xf32, #tpu.memory_space<vmem_shared>> -> memref<10240x128xf32, #tpu.memory_space<vmem_shared>>
          tpu.wait_indirect_dma semaphore(%arg14 : memref<!tpu.dma_semaphore, #tpu.memory_space<semaphore_mem>>) src(%arg12 : memref<128x128xf32, #tpu.memory_space<vmem>>) dst(%dma_wait3A_110 : memref<10240x128xf32, #tpu.memory_space<vmem_shared>>)
        } else {
        }
        %dma_start3A_68 = arith.constant 0 : i32
        %dma_start3A_69 = tpu.memref_slice %arg10[%add3A_59, %dma_start3A_68] : memref<40x128xi32, #tpu.memory_space<vmem>> -> memref<1x128xi32, #tpu.memory_space<vmem>>
        %dma_start3A_70 = tpu.memref_squeeze %dma_start3A_69 : memref<1x128xi32, #tpu.memory_space<vmem>> -> memref<128xi32, #tpu.memory_space<vmem>>
        %dma_start3A_71 = arith.constant 0 : i32
        %dma_start3A_72 = arith.constant 0 : i32
        %dma_start3A_73 = tpu.memref_slice %arg2[%dma_start3A_71, %dma_start3A_72] : memref<10000x128xf32, #tpu.memory_space<hbm>> -> memref<10000x128xf32, #tpu.memory_space<hbm>>
        tpu.enqueue_indirect_dma source(%dma_start3A_73 : memref<10000x128xf32, #tpu.memory_space<hbm>>) target(%arg12 : memref<128x128xf32, #tpu.memory_space<vmem>>) offsets(%dma_start3A_70 : memref<128xi32, #tpu.memory_space<vmem>>) semaphore(%arg16 : memref<!tpu.dma_semaphore, #tpu.memory_space<semaphore_mem>>)
        %dma_wait3A_74 = arith.constant 0 : i32
        %dma_wait3A_75 = tpu.memref_slice %arg10[%mul3A_55, %dma_wait3A_74] : memref<40x128xi32, #tpu.memory_space<vmem>> -> memref<1x128xi32, #tpu.memory_space<vmem>>
        %dma_wait3A_76 = tpu.memref_squeeze %dma_wait3A_75 : memref<1x128xi32, #tpu.memory_space<vmem>> -> memref<128xi32, #tpu.memory_space<vmem>>
        %dma_wait3A_77 = arith.constant 0 : i32
        %dma_wait3A_78 = arith.constant 0 : i32
        %dma_wait3A_79 = tpu.memref_slice %arg2[%dma_wait3A_77, %dma_wait3A_78] : memref<10000x128xf32, #tpu.memory_space<hbm>> -> memref<10000x128xf32, #tpu.memory_space<hbm>>
        tpu.wait_indirect_dma semaphore(%arg15 : memref<!tpu.dma_semaphore, #tpu.memory_space<semaphore_mem>>) src(%dma_wait3A_79 : memref<10000x128xf32, #tpu.memory_space<hbm>>) dst(%arg11 : memref<128x128xf32, #tpu.memory_space<vmem>>)
        %dma_start3A_80 = arith.constant 0 : i32
        %dma_start3A_81 = tpu.memref_slice %arg9[%mul3A_55, %dma_start3A_80] : memref<40x128xi32, #tpu.memory_space<vmem>> -> memref<1x128xi32, #tpu.memory_space<vmem>>
        %dma_start3A_82 = tpu.memref_squeeze %dma_start3A_81 : memref<1x128xi32, #tpu.memory_space<vmem>> -> memref<128xi32, #tpu.memory_space<vmem>>
        %dma_start3A_83 = arith.constant 0 : i32
        %dma_start3A_84 = arith.constant 0 : i32
        %dma_start3A_85 = tpu.memref_slice %arg8[%dma_start3A_83, %dma_start3A_84] : memref<10240x128xf32, #tpu.memory_space<vmem_shared>> -> memref<10240x128xf32, #tpu.memory_space<vmem_shared>>
        tpu.enqueue_indirect_dma source(%arg11 : memref<128x128xf32, #tpu.memory_space<vmem>>) target(%dma_start3A_85 : memref<10240x128xf32, #tpu.memory_space<vmem_shared>>) offsets(%dma_start3A_82 : memref<128xi32, #tpu.memory_space<vmem>>) semaphore(%arg13 : memref<!tpu.dma_semaphore, #tpu.memory_space<semaphore_mem>>) {add = true}
        %add3A_86 = arith.constant 1 : i32
        %add3A_87 = arith.addi %add3A_53, %add3A_86 : i32
        %lt3A = arith.constant 20 : i32
        %lt3A_88 = arith.cmpi slt, %add3A_87, %lt3A : i32
        %convert_element_type3A_89 = arith.extui %lt3A_88 : i1 to i32
        %cond3A_90 = arith.constant 0 : i32
        %cond3A_91 = arith.cmpi ne, %convert_element_type3A_89, %cond3A_90 : i32
        scf.if %cond3A_91 {
          %dma_wait3A_104 = arith.constant 0 : i32
          %dma_wait3A_105 = tpu.memref_slice %arg9[%mul3A_55, %dma_wait3A_104] : memref<40x128xi32, #tpu.memory_space<vmem>> -> memref<1x128xi32, #tpu.memory_space<vmem>>
          %dma_wait3A_106 = tpu.memref_squeeze %dma_wait3A_105 : memref<1x128xi32, #tpu.memory_space<vmem>> -> memref<128xi32, #tpu.memory_space<vmem>>
          %dma_wait3A_107 = arith.constant 0 : i32
          %dma_wait3A_108 = arith.constant 0 : i32
          %dma_wait3A_109 = tpu.memref_slice %arg8[%dma_wait3A_107, %dma_wait3A_108] : memref<10240x128xf32, #tpu.memory_space<vmem_shared>> -> memref<10240x128xf32, #tpu.memory_space<vmem_shared>>
          tpu.wait_indirect_dma semaphore(%arg13 : memref<!tpu.dma_semaphore, #tpu.memory_space<semaphore_mem>>) src(%arg11 : memref<128x128xf32, #tpu.memory_space<vmem>>) dst(%dma_wait3A_109 : memref<10240x128xf32, #tpu.memory_space<vmem_shared>>)
          %dma_start3A_110 = arith.constant 0 : i32
          %dma_start3A_111 = tpu.memref_slice %arg10[%add3A_63, %dma_start3A_110] : memref<40x128xi32, #tpu.memory_space<vmem>> -> memref<1x128xi32, #tpu.memory_space<vmem>>
          %dma_start3A_112 = tpu.memref_squeeze %dma_start3A_111 : memref<1x128xi32, #tpu.memory_space<vmem>> -> memref<128xi32, #tpu.memory_space<vmem>>
          %dma_start3A_113 = arith.constant 0 : i32
          %dma_start3A_114 = arith.constant 0 : i32
          %dma_start3A_115 = tpu.memref_slice %arg2[%dma_start3A_113, %dma_start3A_114] : memref<10000x128xf32, #tpu.memory_space<hbm>> -> memref<10000x128xf32, #tpu.memory_space<hbm>>
          tpu.enqueue_indirect_dma source(%dma_start3A_115 : memref<10000x128xf32, #tpu.memory_space<hbm>>) target(%arg11 : memref<128x128xf32, #tpu.memory_space<vmem>>) offsets(%dma_start3A_112 : memref<128xi32, #tpu.memory_space<vmem>>) semaphore(%arg15 : memref<!tpu.dma_semaphore, #tpu.memory_space<semaphore_mem>>)
        } else {
        }
        %dma_wait3A_92 = arith.constant 0 : i32
        %dma_wait3A_93 = tpu.memref_slice %arg10[%add3A_59, %dma_wait3A_92] : memref<40x128xi32, #tpu.memory_space<vmem>> -> memref<1x128xi32, #tpu.memory_space<vmem>>
        %dma_wait3A_94 = tpu.memref_squeeze %dma_wait3A_93 : memref<1x128xi32, #tpu.memory_space<vmem>> -> memref<128xi32, #tpu.memory_space<vmem>>
        %dma_wait3A_95 = arith.constant 0 : i32
        %dma_wait3A_96 = arith.constant 0 : i32
        %dma_wait3A_97 = tpu.memref_slice %arg2[%dma_wait3A_95, %dma_wait3A_96] : memref<10000x128xf32, #tpu.memory_space<hbm>> -> memref<10000x128xf32, #tpu.memory_space<hbm>>
        tpu.wait_indirect_dma semaphore(%arg16 : memref<!tpu.dma_semaphore, #tpu.memory_space<semaphore_mem>>) src(%dma_wait3A_97 : memref<10000x128xf32, #tpu.memory_space<hbm>>) dst(%arg12 : memref<128x128xf32, #tpu.memory_space<vmem>>)
        %dma_start3A_98 = arith.constant 0 : i32
        %dma_start3A_99 = tpu.memref_slice %arg9[%add3A_59, %dma_start3A_98] : memref<40x128xi32, #tpu.memory_space<vmem>> -> memref<1x128xi32, #tpu.memory_space<vmem>>
        %dma_start3A_100 = tpu.memref_squeeze %dma_start3A_99 : memref<1x128xi32, #tpu.memory_space<vmem>> -> memref<128xi32, #tpu.memory_space<vmem>>
        %dma_start3A_101 = arith.constant 0 : i32
        %dma_start3A_102 = arith.constant 0 : i32
        %dma_start3A_103 = tpu.memref_slice %arg8[%dma_start3A_101, %dma_start3A_102] : memref<10240x128xf32, #tpu.memory_space<vmem_shared>> -> memref<10240x128xf32, #tpu.memory_space<vmem_shared>>
        tpu.enqueue_indirect_dma source(%arg12 : memref<128x128xf32, #tpu.memory_space<vmem>>) target(%dma_start3A_103 : memref<10240x128xf32, #tpu.memory_space<vmem_shared>>) offsets(%dma_start3A_100 : memref<128xi32, #tpu.memory_space<vmem>>) semaphore(%arg14 : memref<!tpu.dma_semaphore, #tpu.memory_space<semaphore_mem>>) {add = true}
      }
      %scan3A_35 = arith.constant 20 : i32
      %dma_wait3A = arith.constant 38 : i32
      %dma_wait3A_36 = arith.constant 0 : i32
      %dma_wait3A_37 = tpu.memref_slice %arg9[%dma_wait3A, %dma_wait3A_36] : memref<40x128xi32, #tpu.memory_space<vmem>> -> memref<1x128xi32, #tpu.memory_space<vmem>>
      %dma_wait3A_38 = tpu.memref_squeeze %dma_wait3A_37 : memref<1x128xi32, #tpu.memory_space<vmem>> -> memref<128xi32, #tpu.memory_space<vmem>>
      %dma_wait3A_39 = arith.constant 0 : i32
      %dma_wait3A_40 = arith.constant 0 : i32
      %dma_wait3A_41 = tpu.memref_slice %arg8[%dma_wait3A_39, %dma_wait3A_40] : memref<10240x128xf32, #tpu.memory_space<vmem_shared>> -> memref<10240x128xf32, #tpu.memory_space<vmem_shared>>
      tpu.wait_indirect_dma semaphore(%arg13 : memref<!tpu.dma_semaphore, #tpu.memory_space<semaphore_mem>>) src(%arg11 : memref<128x128xf32, #tpu.memory_space<vmem>>) dst(%dma_wait3A_41 : memref<10240x128xf32, #tpu.memory_space<vmem_shared>>)
      %dma_wait3A_42 = arith.constant 39 : i32
      %dma_wait3A_43 = arith.constant 0 : i32
      %dma_wait3A_44 = tpu.memref_slice %arg9[%dma_wait3A_42, %dma_wait3A_43] : memref<40x128xi32, #tpu.memory_space<vmem>> -> memref<1x128xi32, #tpu.memory_space<vmem>>
      %dma_wait3A_45 = tpu.memref_squeeze %dma_wait3A_44 : memref<1x128xi32, #tpu.memory_space<vmem>> -> memref<128xi32, #tpu.memory_space<vmem>>
      %dma_wait3A_46 = arith.constant 0 : i32
      %dma_wait3A_47 = arith.constant 0 : i32
      %dma_wait3A_48 = tpu.memref_slice %arg8[%dma_wait3A_46, %dma_wait3A_47] : memref<10240x128xf32, #tpu.memory_space<vmem_shared>> -> memref<10240x128xf32, #tpu.memory_space<vmem_shared>>
      tpu.wait_indirect_dma semaphore(%arg14 : memref<!tpu.dma_semaphore, #tpu.memory_space<semaphore_mem>>) src(%arg12 : memref<128x128xf32, #tpu.memory_space<vmem>>) dst(%dma_wait3A_48 : memref<10240x128xf32, #tpu.memory_space<vmem_shared>>)
    }
    %scan3A_6 = arith.constant 2 : i32
    %barrier3A_7 = arith.constant 0 : index
    tpu.barrier barrier_id(%barrier3A_7)
    %eq3A = arith.constant 0 : i32
    %eq3A_8 = arith.cmpi eq, %arg0, %eq3A : i32
    %convert_element_type3A = arith.extui %eq3A_8 : i1 to i32
    %cond3A = arith.constant 0 : i32
    %cond3A_9 = arith.cmpi ne, %convert_element_type3A, %cond3A : i32
    scf.if %cond3A_9 {
      "tpu.region"() ({
        %run_scoped3A = tpu.sem_alloc : memref<!tpu.dma_semaphore, #tpu.memory_space<semaphore_mem>>
        %dma_start3A = arith.constant 0 : i32
        %dma_start3A_15 = tpu.memref_slice %arg6[%mul3A_2, %dma_start3A] : memref<10240x128xf32, #tpu.memory_space<hbm>> -> memref<640x128xf32, #tpu.memory_space<hbm>>
        %dma_start3A_16 = arith.constant 0 : i32
        %dma_start3A_17 = tpu.memref_slice %arg8[%mul3A_2, %dma_start3A_16] : memref<10240x128xf32, #tpu.memory_space<vmem_shared>> -> memref<640x128xf32, #tpu.memory_space<vmem_shared>>
        tpu.enqueue_dma source(%dma_start3A_17 : memref<640x128xf32, #tpu.memory_space<vmem_shared>>) target(%dma_start3A_15 : memref<640x128xf32, #tpu.memory_space<hbm>>) target_semaphore(%run_scoped3A : memref<!tpu.dma_semaphore, #tpu.memory_space<semaphore_mem>>)
        %dma_wait3A = arith.constant 0 : i32
        %dma_wait3A_18 = tpu.memref_slice %arg6[%mul3A_2, %dma_wait3A] : memref<10240x128xf32, #tpu.memory_space<hbm>> -> memref<640x128xf32, #tpu.memory_space<hbm>>
        %dma_wait3A_19 = arith.constant 0 : i32
        %dma_wait3A_20 = tpu.memref_slice %arg8[%mul3A_2, %dma_wait3A_19] : memref<10240x128xf32, #tpu.memory_space<vmem_shared>> -> memref<640x128xf32, #tpu.memory_space<vmem_shared>>
        tpu.wait_dma2 semaphore(%run_scoped3A : memref<!tpu.dma_semaphore, #tpu.memory_space<semaphore_mem>>) src(%dma_wait3A_20 : memref<640x128xf32, #tpu.memory_space<vmem_shared>>) dst(%dma_wait3A_18 : memref<640x128xf32, #tpu.memory_space<hbm>>)
        tpu.yield
      }) : () -> ()
    } else {
    }
    %eq3A_10 = arith.constant 1 : i32
    %eq3A_11 = arith.cmpi eq, %arg0, %eq3A_10 : i32
    %convert_element_type3A_12 = arith.extui %eq3A_11 : i1 to i32
    %cond3A_13 = arith.constant 0 : i32
    %cond3A_14 = arith.cmpi ne, %convert_element_type3A_12, %cond3A_13 : i32
    scf.if %cond3A_14 {
      "tpu.region"() ({
        %run_scoped3A = tpu.sem_alloc : memref<!tpu.dma_semaphore, #tpu.memory_space<semaphore_mem>>
        %dma_start3A = arith.constant 0 : i32
        %dma_start3A_15 = tpu.memref_slice %arg7[%mul3A_2, %dma_start3A] : memref<10240x128xf32, #tpu.memory_space<hbm>> -> memref<640x128xf32, #tpu.memory_space<hbm>>
        %dma_start3A_16 = arith.constant 0 : i32
        %dma_start3A_17 = tpu.memref_slice %arg8[%mul3A_2, %dma_start3A_16] : memref<10240x128xf32, #tpu.memory_space<vmem_shared>> -> memref<640x128xf32, #tpu.memory_space<vmem_shared>>
        tpu.enqueue_dma source(%dma_start3A_17 : memref<640x128xf32, #tpu.memory_space<vmem_shared>>) target(%dma_start3A_15 : memref<640x128xf32, #tpu.memory_space<hbm>>) target_semaphore(%run_scoped3A : memref<!tpu.dma_semaphore, #tpu.memory_space<semaphore_mem>>)
        %dma_wait3A = arith.constant 0 : i32
        %dma_wait3A_18 = tpu.memref_slice %arg7[%mul3A_2, %dma_wait3A] : memref<10240x128xf32, #tpu.memory_space<hbm>> -> memref<640x128xf32, #tpu.memory_space<hbm>>
        %dma_wait3A_19 = arith.constant 0 : i32
        %dma_wait3A_20 = tpu.memref_slice %arg8[%mul3A_2, %dma_wait3A_19] : memref<10240x128xf32, #tpu.memory_space<vmem_shared>> -> memref<640x128xf32, #tpu.memory_space<vmem_shared>>
        tpu.wait_dma2 semaphore(%run_scoped3A : memref<!tpu.dma_semaphore, #tpu.memory_space<semaphore_mem>>) src(%dma_wait3A_20 : memref<640x128xf32, #tpu.memory_space<vmem_shared>>) dst(%dma_wait3A_18 : memref<640x128xf32, #tpu.memory_space<hbm>>)
        tpu.yield
      }) : () -> ()
    } else {
    }
    return
  }
}

#map = affine_map<(d0, d1) -> (0, 0)>
module attributes {stable_mosaic.version = 14 : i64} {
  func.func @body(%arg0: i32, %arg1: i32, %arg2: memref<10000x128xf32, #tpu.memory_space<hbm>>, %arg3: memref<2560x128xi32, #tpu.memory_space<hbm>>, %arg4: memref<10240x128xf32, #tpu.memory_space<hbm>>, %arg5: memref<2560x128xi32, #tpu.memory_space<hbm>>, %arg6: memref<10240x128xf32, #tpu.memory_space<hbm>>, %arg7: memref<10240x128xf32, #tpu.memory_space<hbm>>, %arg8: memref<10240x128xf32, #tpu.memory_space<vmem_shared>>, %arg9: memref<40x128xi32, #tpu.memory_space<vmem>>, %arg10: memref<40x128xi32, #tpu.memory_space<vmem>>, %arg11: memref<128x128xf32, #tpu.memory_space<vmem>>, %arg12: memref<128x128xf32, #tpu.memory_space<vmem>>, %arg13: memref<!tpu.dma_semaphore, #tpu.memory_space<semaphore_mem>>, %arg14: memref<!tpu.dma_semaphore, #tpu.memory_space<semaphore_mem>>, %arg15: memref<!tpu.dma_semaphore, #tpu.memory_space<semaphore_mem>>, %arg16: memref<!tpu.dma_semaphore, #tpu.memory_space<semaphore_mem>>) attributes {dimension_semantics = [#tpu.dimension_semantics<core_parallel>, #tpu.dimension_semantics<subcore_parallel>], iteration_bounds = array<i64: 2, 16>, scalar_prefetch = 0 : i64, scratch_operands = 9 : i64, tpu.core_type = #tpu.core_type<sc_vector_subcore>, window_params = [{transform_indices = #map}, {transform_indices = #map}, {transform_indices = #map}, {transform_indices = #map}, {transform_indices = #map}, {transform_indices = #map}]} {
    %mul3A = arith.constant 16 : i32
    %mul3A_0 = arith.muli %arg0, %mul3A : i32
    %add3A = arith.addi %mul3A_0, %arg1 : i32
    %mul3A_1 = arith.constant 640 : i32
    %mul3A_2 = arith.muli %arg1, %mul3A_1 : i32
    "tpu.region"() ({
      %run_scoped3A = tpu.sem_alloc : memref<!tpu.dma_semaphore, #tpu.memory_space<semaphore_mem>>
      %dma_start3A = arith.constant 0 : i32
      %dma_start3A_15 = tpu.memref_slice %arg8[%mul3A_2, %dma_start3A] : memref<10240x128xf32, #tpu.memory_space<vmem_shared>> -> memref<640x128xf32, #tpu.memory_space<vmem_shared>>
      %dma_start3A_16 = arith.constant 0 : i32
      %dma_start3A_17 = tpu.memref_slice %arg4[%mul3A_2, %dma_start3A_16] : memref<10240x128xf32, #tpu.memory_space<hbm>> -> memref<640x128xf32, #tpu.memory_space<hbm>>
      tpu.enqueue_dma source(%dma_start3A_17 : memref<640x128xf32, #tpu.memory_space<hbm>>) target(%dma_start3A_15 : memref<640x128xf32, #tpu.memory_space<vmem_shared>>) target_semaphore(%run_scoped3A : memref<!tpu.dma_semaphore, #tpu.memory_space<semaphore_mem>>)
      %dma_wait3A = arith.constant 0 : i32
      %dma_wait3A_18 = tpu.memref_slice %arg8[%mul3A_2, %dma_wait3A] : memref<10240x128xf32, #tpu.memory_space<vmem_shared>> -> memref<640x128xf32, #tpu.memory_space<vmem_shared>>
      %dma_wait3A_19 = arith.constant 0 : i32
      %dma_wait3A_20 = tpu.memref_slice %arg4[%mul3A_2, %dma_wait3A_19] : memref<10240x128xf32, #tpu.memory_space<hbm>> -> memref<640x128xf32, #tpu.memory_space<hbm>>
      tpu.wait_dma2 semaphore(%run_scoped3A : memref<!tpu.dma_semaphore, #tpu.memory_space<semaphore_mem>>) src(%dma_wait3A_20 : memref<640x128xf32, #tpu.memory_space<hbm>>) dst(%dma_wait3A_18 : memref<640x128xf32, #tpu.memory_space<vmem_shared>>)
      tpu.yield
    }) : () -> ()
    %barrier3A = arith.constant 0 : index
    tpu.barrier barrier_id(%barrier3A)
    %scan3A = arith.constant 0 : i32
    %scan3A_3 = arith.constant 2 : i32
    %scan3A_4 = arith.addi %scan3A, %scan3A_3 : i32
    %scan3A_5 = arith.constant 1 : i32
    scf.for %scan3A_15 = %scan3A to %scan3A_4 step %scan3A_5  : i32 {
      %mul3A_16 = arith.constant 1 : i32
      %mul3A_17 = arith.muli %scan3A_15, %mul3A_16 : i32
      %add3A_18 = arith.constant 0 : i32
      %add3A_19 = arith.addi %add3A_18, %mul3A_17 : i32
      %mul3A_20 = arith.constant 80 : i32
      %mul3A_21 = arith.muli %add3A, %mul3A_20 : i32
      %mul3A_22 = arith.constant 40 : i32
      %mul3A_23 = arith.muli %add3A_19, %mul3A_22 : i32
      %add3A_24 = arith.addi %mul3A_21, %mul3A_23 : i32
      "tpu.region"() ({
        %run_scoped3A = tpu.sem_alloc : memref<!tpu.dma_semaphore, #tpu.memory_space<semaphore_mem>>
        %dma_start3A_49 = arith.constant 0 : i32
        %dma_start3A_50 = tpu.memref_slice %arg3[%add3A_24, %dma_start3A_49] : memref<2560x128xi32, #tpu.memory_space<hbm>> -> memref<40x128xi32, #tpu.memory_space<hbm>>
        %dma_start3A_51 = arith.constant 0 : i32
        %dma_start3A_52 = tpu.memref_slice %arg3[%add3A_24, %dma_start3A_51] : memref<2560x128xi32, #tpu.memory_space<hbm>> -> memref<40x128xi32, #tpu.memory_space<hbm>>
        tpu.enqueue_dma source(%dma_start3A_52 : memref<40x128xi32, #tpu.memory_space<hbm>>) target(%arg9 : memref<40x128xi32, #tpu.memory_space<vmem>>) target_semaphore(%run_scoped3A : memref<!tpu.dma_semaphore, #tpu.memory_space<semaphore_mem>>)
        %dma_wait3A_53 = arith.constant 0 : i32
        %dma_wait3A_54 = tpu.memref_slice %arg3[%add3A_24, %dma_wait3A_53] : memref<2560x128xi32, #tpu.memory_space<hbm>> -> memref<40x128xi32, #tpu.memory_space<hbm>>
        %dma_wait3A_55 = arith.constant 0 : i32
        %dma_wait3A_56 = tpu.memref_slice %arg3[%add3A_24, %dma_wait3A_55] : memref<2560x128xi32, #tpu.memory_space<hbm>> -> memref<40x128xi32, #tpu.memory_space<hbm>>
        tpu.wait_dma2 semaphore(%run_scoped3A : memref<!tpu.dma_semaphore, #tpu.memory_space<semaphore_mem>>) src(%dma_wait3A_56 : memref<40x128xi32, #tpu.memory_space<hbm>>) dst(%arg9 : memref<40x128xi32, #tpu.memory_space<vmem>>)
        tpu.yield
      }) : () -> ()
      "tpu.region"() ({
        %run_scoped3A = tpu.sem_alloc : memref<!tpu.dma_semaphore, #tpu.memory_space<semaphore_mem>>
        %dma_start3A_49 = arith.constant 0 : i32
        %dma_start3A_50 = tpu.memref_slice %arg5[%add3A_24, %dma_start3A_49] : memref<2560x128xi32, #tpu.memory_space<hbm>> -> memref<40x128xi32, #tpu.memory_space<hbm>>
        %dma_start3A_51 = arith.constant 0 : i32
        %dma_start3A_52 = tpu.memref_slice %arg5[%add3A_24, %dma_start3A_51] : memref<2560x128xi32, #tpu.memory_space<hbm>> -> memref<40x128xi32, #tpu.memory_space<hbm>>
        tpu.enqueue_dma source(%dma_start3A_52 : memref<40x128xi32, #tpu.memory_space<hbm>>) target(%arg10 : memref<40x128xi32, #tpu.memory_space<vmem>>) target_semaphore(%run_scoped3A : memref<!tpu.dma_semaphore, #tpu.memory_space<semaphore_mem>>)
        %dma_wait3A_53 = arith.constant 0 : i32
        %dma_wait3A_54 = tpu.memref_slice %arg5[%add3A_24, %dma_wait3A_53] : memref<2560x128xi32, #tpu.memory_space<hbm>> -> memref<40x128xi32, #tpu.memory_space<hbm>>
        %dma_wait3A_55 = arith.constant 0 : i32
        %dma_wait3A_56 = tpu.memref_slice %arg5[%add3A_24, %dma_wait3A_55] : memref<2560x128xi32, #tpu.memory_space<hbm>> -> memref<40x128xi32, #tpu.memory_space<hbm>>
        tpu.wait_dma2 semaphore(%run_scoped3A : memref<!tpu.dma_semaphore, #tpu.memory_space<semaphore_mem>>) src(%dma_wait3A_56 : memref<40x128xi32, #tpu.memory_space<hbm>>) dst(%arg10 : memref<40x128xi32, #tpu.memory_space<vmem>>)
        tpu.yield
      }) : () -> ()
      %dma_start3A = arith.constant 0 : i32
      %dma_start3A_25 = arith.constant 0 : i32
      %dma_start3A_26 = tpu.memref_slice %arg10[%dma_start3A, %dma_start3A_25] : memref<40x128xi32, #tpu.memory_space<vmem>> -> memref<1x128xi32, #tpu.memory_space<vmem>>
      %dma_start3A_27 = tpu.memref_squeeze %dma_start3A_26 : memref<1x128xi32, #tpu.memory_space<vmem>> -> memref<128xi32, #tpu.memory_space<vmem>>
      %dma_start3A_28 = arith.constant 0 : i32
      %dma_start3A_29 = arith.constant 0 : i32
      %dma_start3A_30 = tpu.memref_slice %arg2[%dma_start3A_28, %dma_start3A_29] : memref<10000x128xf32, #tpu.memory_space<hbm>> -> memref<10000x128xf32, #tpu.memory_space<hbm>>
      tpu.enqueue_indirect_dma source(%dma_start3A_30 : memref<10000x128xf32, #tpu.memory_space<hbm>>) target(%arg11 : memref<128x128xf32, #tpu.memory_space<vmem>>) offsets(%dma_start3A_27 : memref<128xi32, #tpu.memory_space<vmem>>) semaphore(%arg15 : memref<!tpu.dma_semaphore, #tpu.memory_space<semaphore_mem>>)
      %scan3A_31 = arith.constant 0 : i32
      %scan3A_32 = arith.constant 20 : i32
      %scan3A_33 = arith.addi %scan3A_31, %scan3A_32 : i32
      %scan3A_34 = arith.constant 1 : i32
      scf.for %scan3A_49 = %scan3A_31 to %scan3A_33 step %scan3A_34  : i32 {
        %mul3A_50 = arith.constant 1 : i32
        %mul3A_51 = arith.muli %scan3A_49, %mul3A_50 : i32
        %add3A_52 = arith.constant 0 : i32
        %add3A_53 = arith.addi %add3A_52, %mul3A_51 : i32
        %mul3A_54 = arith.constant 2 : i32
        %mul3A_55 = arith.muli %mul3A_54, %add3A_53 : i32
        %mul3A_56 = arith.constant 2 : i32
        %mul3A_57 = arith.muli %mul3A_56, %add3A_53 : i32
        %add3A_58 = arith.constant 1 : i32
        %add3A_59 = arith.addi %mul3A_57, %add3A_58 : i32
        %mul3A_60 = arith.constant 2 : i32
        %mul3A_61 = arith.muli %mul3A_60, %add3A_53 : i32
        %add3A_62 = arith.constant 2 : i32
        %add3A_63 = arith.addi %mul3A_61, %add3A_62 : i32
        %gt3A = arith.constant 0 : i32
        %gt3A_64 = arith.cmpi sgt, %add3A_53, %gt3A : i32
        %convert_element_type3A_65 = arith.extui %gt3A_64 : i1 to i32
        %cond3A_66 = arith.constant 0 : i32
        %cond3A_67 = arith.cmpi ne, %convert_element_type3A_65, %cond3A_66 : i32
        scf.if %cond3A_67 {
          %sub3A = arith.constant 2 : i32
          %sub3A_104 = arith.subi %add3A_59, %sub3A : i32
          %dma_wait3A_105 = arith.constant 0 : i32
          %dma_wait3A_106 = tpu.memref_slice %arg9[%sub3A_104, %dma_wait3A_105] : memref<40x128xi32, #tpu.memory_space<vmem>> -> memref<1x128xi32, #tpu.memory_space<vmem>>
          %dma_wait3A_107 = tpu.memref_squeeze %dma_wait3A_106 : memref<1x128xi32, #tpu.memory_space<vmem>> -> memref<128xi32, #tpu.memory_space<vmem>>
          %dma_wait3A_108 = arith.constant 0 : i32
          %dma_wait3A_109 = arith.constant 0 : i32
          %dma_wait3A_110 = tpu.memref_slice %arg8[%dma_wait3A_108, %dma_wait3A_109] : memref<10240x128xf32, #tpu.memory_space<vmem_shared>> -> memref<10240x128xf32, #tpu.memory_space<vmem_shared>>
          tpu.wait_indirect_dma semaphore(%arg14 : memref<!tpu.dma_semaphore, #tpu.memory_space<semaphore_mem>>) src(%arg12 : memref<128x128xf32, #tpu.memory_space<vmem>>) dst(%dma_wait3A_110 : memref<10240x128xf32, #tpu.memory_space<vmem_shared>>)
        } else {
        }
        %dma_start3A_68 = arith.constant 0 : i32
        %dma_start3A_69 = tpu.memref_slice %arg10[%add3A_59, %dma_start3A_68] : memref<40x128xi32, #tpu.memory_space<vmem>> -> memref<1x128xi32, #tpu.memory_space<vmem>>
        %dma_start3A_70 = tpu.memref_squeeze %dma_start3A_69 : memref<1x128xi32, #tpu.memory_space<vmem>> -> memref<128xi32, #tpu.memory_space<vmem>>
        %dma_start3A_71 = arith.constant 0 : i32
        %dma_start3A_72 = arith.constant 0 : i32
        %dma_start3A_73 = tpu.memref_slice %arg2[%dma_start3A_71, %dma_start3A_72] : memref<10000x128xf32, #tpu.memory_space<hbm>> -> memref<10000x128xf32, #tpu.memory_space<hbm>>
        tpu.enqueue_indirect_dma source(%dma_start3A_73 : memref<10000x128xf32, #tpu.memory_space<hbm>>) target(%arg12 : memref<128x128xf32, #tpu.memory_space<vmem>>) offsets(%dma_start3A_70 : memref<128xi32, #tpu.memory_space<vmem>>) semaphore(%arg16 : memref<!tpu.dma_semaphore, #tpu.memory_space<semaphore_mem>>)
        %dma_wait3A_74 = arith.constant 0 : i32
        %dma_wait3A_75 = tpu.memref_slice %arg10[%mul3A_55, %dma_wait3A_74] : memref<40x128xi32, #tpu.memory_space<vmem>> -> memref<1x128xi32, #tpu.memory_space<vmem>>
        %dma_wait3A_76 = tpu.memref_squeeze %dma_wait3A_75 : memref<1x128xi32, #tpu.memory_space<vmem>> -> memref<128xi32, #tpu.memory_space<vmem>>
        %dma_wait3A_77 = arith.constant 0 : i32
        %dma_wait3A_78 = arith.constant 0 : i32
        %dma_wait3A_79 = tpu.memref_slice %arg2[%dma_wait3A_77, %dma_wait3A_78] : memref<10000x128xf32, #tpu.memory_space<hbm>> -> memref<10000x128xf32, #tpu.memory_space<hbm>>
        tpu.wait_indirect_dma semaphore(%arg15 : memref<!tpu.dma_semaphore, #tpu.memory_space<semaphore_mem>>) src(%dma_wait3A_79 : memref<10000x128xf32, #tpu.memory_space<hbm>>) dst(%arg11 : memref<128x128xf32, #tpu.memory_space<vmem>>)
        %dma_start3A_80 = arith.constant 0 : i32
        %dma_start3A_81 = tpu.memref_slice %arg9[%mul3A_55, %dma_start3A_80] : memref<40x128xi32, #tpu.memory_space<vmem>> -> memref<1x128xi32, #tpu.memory_space<vmem>>
        %dma_start3A_82 = tpu.memref_squeeze %dma_start3A_81 : memref<1x128xi32, #tpu.memory_space<vmem>> -> memref<128xi32, #tpu.memory_space<vmem>>
        %dma_start3A_83 = arith.constant 0 : i32
        %dma_start3A_84 = arith.constant 0 : i32
        %dma_start3A_85 = tpu.memref_slice %arg8[%dma_start3A_83, %dma_start3A_84] : memref<10240x128xf32, #tpu.memory_space<vmem_shared>> -> memref<10240x128xf32, #tpu.memory_space<vmem_shared>>
        tpu.enqueue_indirect_dma source(%arg11 : memref<128x128xf32, #tpu.memory_space<vmem>>) target(%dma_start3A_85 : memref<10240x128xf32, #tpu.memory_space<vmem_shared>>) offsets(%dma_start3A_82 : memref<128xi32, #tpu.memory_space<vmem>>) semaphore(%arg13 : memref<!tpu.dma_semaphore, #tpu.memory_space<semaphore_mem>>) {add = true}
        %add3A_86 = arith.constant 1 : i32
        %add3A_87 = arith.addi %add3A_53, %add3A_86 : i32
        %lt3A = arith.constant 20 : i32
        %lt3A_88 = arith.cmpi slt, %add3A_87, %lt3A : i32
        %convert_element_type3A_89 = arith.extui %lt3A_88 : i1 to i32
        %cond3A_90 = arith.constant 0 : i32
        %cond3A_91 = arith.cmpi ne, %convert_element_type3A_89, %cond3A_90 : i32
        scf.if %cond3A_91 {
          %dma_wait3A_104 = arith.constant 0 : i32
          %dma_wait3A_105 = tpu.memref_slice %arg9[%mul3A_55, %dma_wait3A_104] : memref<40x128xi32, #tpu.memory_space<vmem>> -> memref<1x128xi32, #tpu.memory_space<vmem>>
          %dma_wait3A_106 = tpu.memref_squeeze %dma_wait3A_105 : memref<1x128xi32, #tpu.memory_space<vmem>> -> memref<128xi32, #tpu.memory_space<vmem>>
          %dma_wait3A_107 = arith.constant 0 : i32
          %dma_wait3A_108 = arith.constant 0 : i32
          %dma_wait3A_109 = tpu.memref_slice %arg8[%dma_wait3A_107, %dma_wait3A_108] : memref<10240x128xf32, #tpu.memory_space<vmem_shared>> -> memref<10240x128xf32, #tpu.memory_space<vmem_shared>>
          tpu.wait_indirect_dma semaphore(%arg13 : memref<!tpu.dma_semaphore, #tpu.memory_space<semaphore_mem>>) src(%arg11 : memref<128x128xf32, #tpu.memory_space<vmem>>) dst(%dma_wait3A_109 : memref<10240x128xf32, #tpu.memory_space<vmem_shared>>)
          %dma_start3A_110 = arith.constant 0 : i32
          %dma_start3A_111 = tpu.memref_slice %arg10[%add3A_63, %dma_start3A_110] : memref<40x128xi32, #tpu.memory_space<vmem>> -> memref<1x128xi32, #tpu.memory_space<vmem>>
          %dma_start3A_112 = tpu.memref_squeeze %dma_start3A_111 : memref<1x128xi32, #tpu.memory_space<vmem>> -> memref<128xi32, #tpu.memory_space<vmem>>
          %dma_start3A_113 = arith.constant 0 : i32
          %dma_start3A_114 = arith.constant 0 : i32
          %dma_start3A_115 = tpu.memref_slice %arg2[%dma_start3A_113, %dma_start3A_114] : memref<10000x128xf32, #tpu.memory_space<hbm>> -> memref<10000x128xf32, #tpu.memory_space<hbm>>
          tpu.enqueue_indirect_dma source(%dma_start3A_115 : memref<10000x128xf32, #tpu.memory_space<hbm>>) target(%arg11 : memref<128x128xf32, #tpu.memory_space<vmem>>) offsets(%dma_start3A_112 : memref<128xi32, #tpu.memory_space<vmem>>) semaphore(%arg15 : memref<!tpu.dma_semaphore, #tpu.memory_space<semaphore_mem>>)
        } else {
        }
        %dma_wait3A_92 = arith.constant 0 : i32
        %dma_wait3A_93 = tpu.memref_slice %arg10[%add3A_59, %dma_wait3A_92] : memref<40x128xi32, #tpu.memory_space<vmem>> -> memref<1x128xi32, #tpu.memory_space<vmem>>
        %dma_wait3A_94 = tpu.memref_squeeze %dma_wait3A_93 : memref<1x128xi32, #tpu.memory_space<vmem>> -> memref<128xi32, #tpu.memory_space<vmem>>
        %dma_wait3A_95 = arith.constant 0 : i32
        %dma_wait3A_96 = arith.constant 0 : i32
        %dma_wait3A_97 = tpu.memref_slice %arg2[%dma_wait3A_95, %dma_wait3A_96] : memref<10000x128xf32, #tpu.memory_space<hbm>> -> memref<10000x128xf32, #tpu.memory_space<hbm>>
        tpu.wait_indirect_dma semaphore(%arg16 : memref<!tpu.dma_semaphore, #tpu.memory_space<semaphore_mem>>) src(%dma_wait3A_97 : memref<10000x128xf32, #tpu.memory_space<hbm>>) dst(%arg12 : memref<128x128xf32, #tpu.memory_space<vmem>>)
        %dma_start3A_98 = arith.constant 0 : i32
        %dma_start3A_99 = tpu.memref_slice %arg9[%add3A_59, %dma_start3A_98] : memref<40x128xi32, #tpu.memory_space<vmem>> -> memref<1x128xi32, #tpu.memory_space<vmem>>
        %dma_start3A_100 = tpu.memref_squeeze %dma_start3A_99 : memref<1x128xi32, #tpu.memory_space<vmem>> -> memref<128xi32, #tpu.memory_space<vmem>>
        %dma_start3A_101 = arith.constant 0 : i32
        %dma_start3A_102 = arith.constant 0 : i32
        %dma_start3A_103 = tpu.memref_slice %arg8[%dma_start3A_101, %dma_start3A_102] : memref<10240x128xf32, #tpu.memory_space<vmem_shared>> -> memref<10240x128xf32, #tpu.memory_space<vmem_shared>>
        tpu.enqueue_indirect_dma source(%arg12 : memref<128x128xf32, #tpu.memory_space<vmem>>) target(%dma_start3A_103 : memref<10240x128xf32, #tpu.memory_space<vmem_shared>>) offsets(%dma_start3A_100 : memref<128xi32, #tpu.memory_space<vmem>>) semaphore(%arg14 : memref<!tpu.dma_semaphore, #tpu.memory_space<semaphore_mem>>) {add = true}
      }
      %scan3A_35 = arith.constant 20 : i32
      %dma_wait3A = arith.constant 38 : i32
      %dma_wait3A_36 = arith.constant 0 : i32
      %dma_wait3A_37 = tpu.memref_slice %arg9[%dma_wait3A, %dma_wait3A_36] : memref<40x128xi32, #tpu.memory_space<vmem>> -> memref<1x128xi32, #tpu.memory_space<vmem>>
      %dma_wait3A_38 = tpu.memref_squeeze %dma_wait3A_37 : memref<1x128xi32, #tpu.memory_space<vmem>> -> memref<128xi32, #tpu.memory_space<vmem>>
      %dma_wait3A_39 = arith.constant 0 : i32
      %dma_wait3A_40 = arith.constant 0 : i32
      %dma_wait3A_41 = tpu.memref_slice %arg8[%dma_wait3A_39, %dma_wait3A_40] : memref<10240x128xf32, #tpu.memory_space<vmem_shared>> -> memref<10240x128xf32, #tpu.memory_space<vmem_shared>>
      tpu.wait_indirect_dma semaphore(%arg13 : memref<!tpu.dma_semaphore, #tpu.memory_space<semaphore_mem>>) src(%arg11 : memref<128x128xf32, #tpu.memory_space<vmem>>) dst(%dma_wait3A_41 : memref<10240x128xf32, #tpu.memory_space<vmem_shared>>)
      %dma_wait3A_42 = arith.constant 39 : i32
      %dma_wait3A_43 = arith.constant 0 : i32
      %dma_wait3A_44 = tpu.memref_slice %arg9[%dma_wait3A_42, %dma_wait3A_43] : memref<40x128xi32, #tpu.memory_space<vmem>> -> memref<1x128xi32, #tpu.memory_space<vmem>>
      %dma_wait3A_45 = tpu.memref_squeeze %dma_wait3A_44 : memref<1x128xi32, #tpu.memory_space<vmem>> -> memref<128xi32, #tpu.memory_space<vmem>>
      %dma_wait3A_46 = arith.constant 0 : i32
      %dma_wait3A_47 = arith.constant 0 : i32
      %dma_wait3A_48 = tpu.memref_slice %arg8[%dma_wait3A_46, %dma_wait3A_47] : memref<10240x128xf32, #tpu.memory_space<vmem_shared>> -> memref<10240x128xf32, #tpu.memory_space<vmem_shared>>
      tpu.wait_indirect_dma semaphore(%arg14 : memref<!tpu.dma_semaphore, #tpu.memory_space<semaphore_mem>>) src(%arg12 : memref<128x128xf32, #tpu.memory_space<vmem>>) dst(%dma_wait3A_48 : memref<10240x128xf32, #tpu.memory_space<vmem_shared>>)
    }
    %scan3A_6 = arith.constant 2 : i32
    %barrier3A_7 = arith.constant 0 : index
    tpu.barrier barrier_id(%barrier3A_7)
    %eq3A = arith.constant 0 : i32
    %eq3A_8 = arith.cmpi eq, %arg0, %eq3A : i32
    %convert_element_type3A = arith.extui %eq3A_8 : i1 to i32
    %cond3A = arith.constant 0 : i32
    %cond3A_9 = arith.cmpi ne, %convert_element_type3A, %cond3A : i32
    scf.if %cond3A_9 {
      "tpu.region"() ({
        %run_scoped3A = tpu.sem_alloc : memref<!tpu.dma_semaphore, #tpu.memory_space<semaphore_mem>>
        %dma_start3A = arith.constant 0 : i32
        %dma_start3A_15 = tpu.memref_slice %arg6[%mul3A_2, %dma_start3A] : memref<10240x128xf32, #tpu.memory_space<hbm>> -> memref<640x128xf32, #tpu.memory_space<hbm>>
        %dma_start3A_16 = arith.constant 0 : i32
        %dma_start3A_17 = tpu.memref_slice %arg8[%mul3A_2, %dma_start3A_16] : memref<10240x128xf32, #tpu.memory_space<vmem_shared>> -> memref<640x128xf32, #tpu.memory_space<vmem_shared>>
        tpu.enqueue_dma source(%dma_start3A_17 : memref<640x128xf32, #tpu.memory_space<vmem_shared>>) target(%dma_start3A_15 : memref<640x128xf32, #tpu.memory_space<hbm>>) target_semaphore(%run_scoped3A : memref<!tpu.dma_semaphore, #tpu.memory_space<semaphore_mem>>)
        %dma_wait3A = arith.constant 0 : i32
        %dma_wait3A_18 = tpu.memref_slice %arg6[%mul3A_2, %dma_wait3A] : memref<10240x128xf32, #tpu.memory_space<hbm>> -> memref<640x128xf32, #tpu.memory_space<hbm>>
        %dma_wait3A_19 = arith.constant 0 : i32
        %dma_wait3A_20 = tpu.memref_slice %arg8[%mul3A_2, %dma_wait3A_19] : memref<10240x128xf32, #tpu.memory_space<vmem_shared>> -> memref<640x128xf32, #tpu.memory_space<vmem_shared>>
        tpu.wait_dma2 semaphore(%run_scoped3A : memref<!tpu.dma_semaphore, #tpu.memory_space<semaphore_mem>>) src(%dma_wait3A_20 : memref<640x128xf32, #tpu.memory_space<vmem_shared>>) dst(%dma_wait3A_18 : memref<640x128xf32, #tpu.memory_space<hbm>>)
        tpu.yield
      }) : () -> ()
    } else {
    }
    %eq3A_10 = arith.constant 1 : i32
    %eq3A_11 = arith.cmpi eq, %arg0, %eq3A_10 : i32
    %convert_element_type3A_12 = arith.extui %eq3A_11 : i1 to i32
    %cond3A_13 = arith.constant 0 : i32
    %cond3A_14 = arith.cmpi ne, %convert_element_type3A_12, %cond3A_13 : i32
    scf.if %cond3A_14 {
      "tpu.region"() ({
        %run_scoped3A = tpu.sem_alloc : memref<!tpu.dma_semaphore, #tpu.memory_space<semaphore_mem>>
        %dma_start3A = arith.constant 0 : i32
        %dma_start3A_15 = tpu.memref_slice %arg7[%mul3A_2, %dma_start3A] : memref<10240x128xf32, #tpu.memory_space<hbm>> -> memref<640x128xf32, #tpu.memory_space<hbm>>
        %dma_start3A_16 = arith.constant 0 : i32
        %dma_start3A_17 = tpu.memref_slice %arg8[%mul3A_2, %dma_start3A_16] : memref<10240x128xf32, #tpu.memory_space<vmem_shared>> -> memref<640x128xf32, #tpu.memory_space<vmem_shared>>
        tpu.enqueue_dma source(%dma_start3A_17 : memref<640x128xf32, #tpu.memory_space<vmem_shared>>) target(%dma_start3A_15 : memref<640x128xf32, #tpu.memory_space<hbm>>) target_semaphore(%run_scoped3A : memref<!tpu.dma_semaphore, #tpu.memory_space<semaphore_mem>>)
        %dma_wait3A = arith.constant 0 : i32
        %dma_wait3A_18 = tpu.memref_slice %arg7[%mul3A_2, %dma_wait3A] : memref<10240x128xf32, #tpu.memory_space<hbm>> -> memref<640x128xf32, #tpu.memory_space<hbm>>
        %dma_wait3A_19 = arith.constant 0 : i32
        %dma_wait3A_20 = tpu.memref_slice %arg8[%mul3A_2, %dma_wait3A_19] : memref<10240x128xf32, #tpu.memory_space<vmem_shared>> -> memref<640x128xf32, #tpu.memory_space<vmem_shared>>
        tpu.wait_dma2 semaphore(%run_scoped3A : memref<!tpu.dma_semaphore, #tpu.memory_space<semaphore_mem>>) src(%dma_wait3A_20 : memref<640x128xf32, #tpu.memory_space<vmem_shared>>) dst(%dma_wait3A_18 : memref<640x128xf32, #tpu.memory_space<hbm>>)
        tpu.yield
      }) : () -> ()
    } else {
    }
    return
  }
}

module attributes {stable_mosaic.version = 14 : i64} {
  func.func @_deg_body(%arg0: i32, %arg1: memref<8000x1xi32, #tpu.memory_space<vmem>>, %arg2: memref<80x128xf32, #tpu.memory_space<vmem>>) attributes {dimension_semantics = [#tpu.dimension_semantics<arbitrary>], iteration_bounds = array<i64: 40>, scalar_prefetch = 0 : i64, scratch_operands = 0 : i64, tpu.core_type = #tpu.core_type<tc>, window_params = [{transform_indices = @transform_0, window_bounds = array<i64: 8000, 1>}, {pipeline_mode = #tpu.pipeline_mode<synchronous>, transform_indices = @transform_1, window_bounds = array<i64: 80, 128>}]} {
    %get3A = arith.constant 0 : index
    %get3A_0 = arith.constant 0 : index
    %get3A_1 = vector.load %arg1[%get3A, %get3A_0] : memref<8000x1xi32, #tpu.memory_space<vmem>>, vector<8000x1xi32>
    %jit3A = arith.constant 128 : i32
    %div3A = vector.broadcast %jit3A : i32 to vector<8000x1xi32>
    %div3A_2 = arith.divsi %get3A_1, %div3A : vector<8000x1xi32>
    %sign3A = arith.constant 0 : i32
    %sign3A_3 = vector.broadcast %sign3A : i32 to vector<8000x1xi32>
    %sign3A_4 = arith.cmpi sgt, %get3A_1, %sign3A_3 : vector<8000x1xi32>
    %sign3A_5 = arith.extui %sign3A_4 : vector<8000x1xi1> to vector<8000x1xi32>
    %sign3A_6 = arith.constant 0 : i32
    %sign3A_7 = vector.broadcast %sign3A_6 : i32 to vector<8000x1xi32>
    %sign3A_8 = arith.cmpi slt, %get3A_1, %sign3A_7 : vector<8000x1xi32>
    %sign3A_9 = arith.extui %sign3A_8 : vector<8000x1xi1> to vector<8000x1xi32>
    %sign3A_10 = arith.subi %sign3A_5, %sign3A_9 : vector<8000x1xi32>
    %sign3A_11 = arith.constant 0 : i32
    %sign3A_12 = arith.cmpi sgt, %jit3A, %sign3A_11 : i32
    %sign3A_13 = arith.extui %sign3A_12 : i1 to i32
    %sign3A_14 = arith.constant 0 : i32
    %sign3A_15 = arith.cmpi slt, %jit3A, %sign3A_14 : i32
    %sign3A_16 = arith.extui %sign3A_15 : i1 to i32
    %sign3A_17 = arith.subi %sign3A_13, %sign3A_16 : i32
    %ne3A = vector.broadcast %sign3A_17 : i32 to vector<8000x1xi32>
    %ne3A_18 = arith.cmpi ne, %sign3A_10, %ne3A : vector<8000x1xi32>
    %rem3A = vector.broadcast %jit3A : i32 to vector<8000x1xi32>
    %rem3A_19 = arith.remsi %get3A_1, %rem3A : vector<8000x1xi32>
    %ne3A_20 = arith.constant 0 : i32
    %ne3A_21 = vector.broadcast %ne3A_20 : i32 to vector<8000x1xi32>
    %ne3A_22 = arith.cmpi ne, %rem3A_19, %ne3A_21 : vector<8000x1xi32>
    %and3A = arith.andi %ne3A_18, %ne3A_22 : vector<8000x1xi1>
    %sub3A = arith.constant 1 : i32
    %sub3A_23 = vector.broadcast %sub3A : i32 to vector<8000x1xi32>
    %sub3A_24 = arith.subi %div3A_2, %sub3A_23 : vector<8000x1xi32>
    %select_n3A = arith.select %and3A, %sub3A_24, %div3A_2 : vector<8000x1xi1>, vector<8000x1xi32>
    %jit3A_25 = arith.constant 128 : i32
    %eq3A = arith.constant 0 : i32
    %eq3A_26 = arith.cmpi eq, %jit3A_25, %eq3A : i32
    %jit3A_27 = arith.constant 1 : i32
    %select_n3A_28 = arith.select %eq3A_26, %jit3A_27, %jit3A_25 : i32
    %rem3A_29 = vector.broadcast %select_n3A_28 : i32 to vector<8000x1xi32>
    %rem3A_30 = arith.remsi %get3A_1, %rem3A_29 : vector<8000x1xi32>
    %ne3A_31 = arith.constant 0 : i32
    %ne3A_32 = vector.broadcast %ne3A_31 : i32 to vector<8000x1xi32>
    %ne3A_33 = arith.cmpi ne, %rem3A_30, %ne3A_32 : vector<8000x1xi32>
    %lt3A = arith.constant 0 : i32
    %lt3A_34 = vector.broadcast %lt3A : i32 to vector<8000x1xi32>
    %lt3A_35 = arith.cmpi slt, %rem3A_30, %lt3A_34 : vector<8000x1xi32>
    %lt3A_36 = arith.constant 0 : i32
    %lt3A_37 = arith.cmpi slt, %select_n3A_28, %lt3A_36 : i32
    %ne3A_38 = vector.broadcast %lt3A_37 : i1 to vector<8000x1xi1>
    %ne3A_39 = vector.broadcast %ne3A_38 : vector<8000x1xi1> to vector<8000x1xi1>
    %ne3A_40 = arith.xori %lt3A_35, %ne3A_39 : vector<8000x1xi1>
    %and3A_41 = arith.andi %ne3A_40, %ne3A_33 : vector<8000x1xi1>
    %add3A = vector.broadcast %select_n3A_28 : i32 to vector<8000x1xi32>
    %add3A_42 = arith.addi %rem3A_30, %add3A : vector<8000x1xi32>
    %select_n3A_43 = arith.select %and3A_41, %add3A_42, %rem3A_30 : vector<8000x1xi1>, vector<8000x1xi32>
    %iota3A = tpu.iota {dimensions = array<i32: 1>} : vector<1x80xi32>
    %iota3A_44 = tpu.iota {dimensions = array<i32: 1>} : vector<1x128xi32>
    %eq3A_45 = vector.broadcast %select_n3A : vector<8000x1xi32> to vector<8000x80xi32>
    %eq3A_46 = vector.broadcast %iota3A : vector<1x80xi32> to vector<8000x80xi32>
    %eq3A_47 = arith.cmpi eq, %eq3A_45, %eq3A_46 : vector<8000x80xi32>
    %convert_element_type3A = arith.extui %eq3A_47 : vector<8000x80xi1> to vector<8000x80xi32>
    %convert_element_type3A_48 = arith.sitofp %convert_element_type3A : vector<8000x80xi32> to vector<8000x80xf32>
    %convert_element_type3A_49 = arith.truncf %convert_element_type3A_48 : vector<8000x80xf32> to vector<8000x80xbf16>
    %eq3A_50 = vector.broadcast %select_n3A_43 : vector<8000x1xi32> to vector<8000x128xi32>
    %eq3A_51 = vector.broadcast %iota3A_44 : vector<1x128xi32> to vector<8000x128xi32>
    %eq3A_52 = arith.cmpi eq, %eq3A_50, %eq3A_51 : vector<8000x128xi32>
    %convert_element_type3A_53 = arith.extui %eq3A_52 : vector<8000x128xi1> to vector<8000x128xi32>
    %convert_element_type3A_54 = arith.sitofp %convert_element_type3A_53 : vector<8000x128xi32> to vector<8000x128xf32>
    %convert_element_type3A_55 = arith.truncf %convert_element_type3A_54 : vector<8000x128xf32> to vector<8000x128xbf16>
    %dot_general3A = arith.constant dense<0.000000e+00> : vector<80x128xf32>
    %dot_general3A_56 = tpu.matmul %convert_element_type3A_49, %convert_element_type3A_55, %dot_general3A {dimension_numbers = #tpu.dot_dimension_numbers<[0], [0], [1], [1], [0, 1, 1, 1], [], []>, transpose_lhs_hint = false} : vector<8000x80xbf16>, vector<8000x128xbf16>, vector<80x128xf32> -> vector<80x128xf32>
    %eq3A_57 = arith.constant 0 : i32
    %eq3A_58 = arith.cmpi eq, %arg0, %eq3A_57 : i32
    %convert_element_type3A_59 = arith.extui %eq3A_58 : i1 to i32
    %cond3A = arith.constant 0 : i32
    %cond3A_60 = arith.cmpi ne, %convert_element_type3A_59, %cond3A : i32
    scf.if %cond3A_60 {
      %broadcast_in_dim3A = arith.constant 0.000000e+00 : f32
      %broadcast_in_dim3A_67 = vector.broadcast %broadcast_in_dim3A : f32 to vector<80x128xf32>
      %swap3A_68 = arith.constant 0 : index
      %swap3A_69 = arith.constant 0 : index
      %swap3A_70 = vector.load %arg2[%swap3A_68, %swap3A_69] : memref<80x128xf32, #tpu.memory_space<vmem>>, vector<80x128xf32>
      tpu.vector_store %arg2[%swap3A_68, %swap3A_69], %broadcast_in_dim3A_67 {strides = array<i32>} : memref<80x128xf32, #tpu.memory_space<vmem>>, vector<80x128xf32>,
    } else {
    }
    %get3A_61 = arith.constant 0 : index
    %get3A_62 = arith.constant 0 : index
    %get3A_63 = vector.load %arg2[%get3A_61, %get3A_62] : memref<80x128xf32, #tpu.memory_space<vmem>>, vector<80x128xf32>
    %add3A_64 = arith.addf %get3A_63, %dot_general3A_56 : vector<80x128xf32>
    %swap3A = arith.constant 0 : index
    %swap3A_65 = arith.constant 0 : index
    %swap3A_66 = vector.load %arg2[%swap3A, %swap3A_65] : memref<80x128xf32, #tpu.memory_space<vmem>>, vector<80x128xf32>
    tpu.vector_store %arg2[%swap3A, %swap3A_65], %add3A_64 {strides = array<i32>} : memref<80x128xf32, #tpu.memory_space<vmem>>, vector<80x128xf32>,
    return
  }
  func.func @transform_0(%arg0: i32) -> (i32, i32) {
    %c0_i32 = arith.constant 0 : i32
    %c0_i32_0 = arith.constant 0 : i32
    return %arg0, %c0_i32 : i32, i32
  }
  func.func @transform_1(%arg0: i32) -> (i32, i32) {
    %c0_i32 = arith.constant 0 : i32
    %c0_i32_0 = arith.constant 0 : i32
    %c0_i32_1 = arith.constant 0 : i32
    return %c0_i32, %c0_i32_0 : i32, i32
  }
}

module attributes {stable_mosaic.version = 14 : i64} {
  func.func @_tc1_body(%arg0: i32, %arg1: memref<2000x128xf32, #tpu.memory_space<vmem>>, %arg2: memref<2000x128xf32, #tpu.memory_space<vmem>>, %arg3: memref<2000x1xf32, #tpu.memory_space<vmem>>, %arg4: memref<2000x128xf32, #tpu.memory_space<vmem>>, %arg5: memref<128x128xf32, #tpu.memory_space<vmem>>, %arg6: memref<1x128xf32, #tpu.memory_space<vmem>>, %arg7: memref<128x128xf32, #tpu.memory_space<vmem>>, %arg8: memref<2000x128xf32, #tpu.memory_space<vmem>>) attributes {dimension_semantics = [#tpu.dimension_semantics<arbitrary>], iteration_bounds = array<i64: 5>, scalar_prefetch = 0 : i64, scratch_operands = 0 : i64, tpu.core_type = #tpu.core_type<tc>, window_params = [{transform_indices = @transform_0, window_bounds = array<i64: 2000, 128>}, {transform_indices = @transform_1, window_bounds = array<i64: 2000, 128>}, {transform_indices = @transform_2, window_bounds = array<i64: 2000, 1>}, {transform_indices = @transform_3, window_bounds = array<i64: 2000, 128>}, {pipeline_mode = #tpu.pipeline_mode<synchronous>, transform_indices = @transform_4, window_bounds = array<i64: 128, 128>}, {pipeline_mode = #tpu.pipeline_mode<synchronous>, transform_indices = @transform_5, window_bounds = array<i64: 1, 128>}, {pipeline_mode = #tpu.pipeline_mode<synchronous>, transform_indices = @transform_6, window_bounds = array<i64: 128, 128>}, {transform_indices = @transform_7, window_bounds = array<i64: 2000, 128>}]} {
    %get3A = arith.constant 0 : index
    %get3A_0 = arith.constant 0 : index
    %get3A_1 = vector.load %arg3[%get3A, %get3A_0] : memref<2000x1xf32, #tpu.memory_space<vmem>>, vector<2000x1xf32>
    %max3A = arith.constant 1.000000e+00 : f32
    %max3A_2 = vector.broadcast %max3A : f32 to vector<2000x1xf32>
    %max3A_3 = arith.maximumf %get3A_1, %max3A_2 : vector<2000x1xf32>
    %get3A_4 = arith.constant 0 : index
    %get3A_5 = arith.constant 0 : index
    %get3A_6 = vector.load %arg1[%get3A_4, %get3A_5] : memref<2000x128xf32, #tpu.memory_space<vmem>>, vector<2000x128xf32>
    %get3A_7 = arith.constant 0 : index
    %get3A_8 = arith.constant 0 : index
    %get3A_9 = vector.load %arg2[%get3A_7, %get3A_8] : memref<2000x128xf32, #tpu.memory_space<vmem>>, vector<2000x128xf32>
    %add3A = arith.addf %get3A_6, %get3A_9 : vector<2000x128xf32>
    %div3A = vector.broadcast %max3A_3 : vector<2000x1xf32> to vector<2000x128xf32>
    %div3A_10 = arith.divf %add3A, %div3A : vector<2000x128xf32>
    %get3A_11 = arith.constant 0 : index
    %get3A_12 = arith.constant 0 : index
    %get3A_13 = vector.load %arg5[%get3A_11, %get3A_12] : memref<128x128xf32, #tpu.memory_space<vmem>>, vector<128x128xf32>
    %dot_general3A = arith.constant dense<0.000000e+00> : vector<2000x128xf32>
    %dot_general3A_14 = tpu.matmul %div3A_10, %get3A_13, %dot_general3A {dimension_numbers = #tpu.dot_dimension_numbers<[1], [1], [0], [0], [0, 0, 1, 0], [], []>, precision = #tpu.contract_precision<fp32>, transpose_lhs_hint = false} : vector<2000x128xf32>, vector<128x128xf32>, vector<2000x128xf32> -> vector<2000x128xf32>
    %get3A_15 = arith.constant 0 : index
    %get3A_16 = arith.constant 0 : index
    %get3A_17 = vector.load %arg6[%get3A_15, %get3A_16] : memref<1x128xf32, #tpu.memory_space<vmem>>, vector<1x128xf32>
    %add3A_18 = vector.broadcast %get3A_17 : vector<1x128xf32> to vector<2000x128xf32>
    %add3A_19 = arith.addf %dot_general3A_14, %add3A_18 : vector<2000x128xf32>
    %get3A_20 = arith.constant 0 : index
    %get3A_21 = arith.constant 0 : index
    %get3A_22 = vector.load %arg4[%get3A_20, %get3A_21] : memref<2000x128xf32, #tpu.memory_space<vmem>>, vector<2000x128xf32>
    %get3A_23 = arith.constant 0 : index
    %get3A_24 = arith.constant 0 : index
    %get3A_25 = vector.load %arg7[%get3A_23, %get3A_24] : memref<128x128xf32, #tpu.memory_space<vmem>>, vector<128x128xf32>
    %dot_general3A_26 = arith.constant dense<0.000000e+00> : vector<2000x128xf32>
    %dot_general3A_27 = tpu.matmul %get3A_22, %get3A_25, %dot_general3A_26 {dimension_numbers = #tpu.dot_dimension_numbers<[1], [1], [0], [0], [0, 0, 1, 0], [], []>, precision = #tpu.contract_precision<fp32>, transpose_lhs_hint = false} : vector<2000x128xf32>, vector<128x128xf32>, vector<2000x128xf32> -> vector<2000x128xf32>
    %add3A_28 = arith.addf %add3A_19, %dot_general3A_27 : vector<2000x128xf32>
    %max3A_29 = arith.constant 0.000000e+00 : f32
    %max3A_30 = vector.broadcast %max3A_29 : f32 to vector<2000x128xf32>
    %max3A_31 = arith.maximumf %add3A_28, %max3A_30 : vector<2000x128xf32>
    %swap3A = arith.constant 0 : index
    %swap3A_32 = arith.constant 0 : index
    %swap3A_33 = vector.load %arg8[%swap3A, %swap3A_32] : memref<2000x128xf32, #tpu.memory_space<vmem>>, vector<2000x128xf32>
    tpu.vector_store %arg8[%swap3A, %swap3A_32], %max3A_31 {strides = array<i32>} : memref<2000x128xf32, #tpu.memory_space<vmem>>, vector<2000x128xf32>,
    return
  }
  func.func @transform_0(%arg0: i32) -> (i32, i32) {
    %c0_i32 = arith.constant 0 : i32
    %c0_i32_0 = arith.constant 0 : i32
    return %arg0, %c0_i32 : i32, i32
  }
  func.func @transform_1(%arg0: i32) -> (i32, i32) {
    %c0_i32 = arith.constant 0 : i32
    %c0_i32_0 = arith.constant 0 : i32
    return %arg0, %c0_i32 : i32, i32
  }
  func.func @transform_2(%arg0: i32) -> (i32, i32) {
    %c0_i32 = arith.constant 0 : i32
    %c0_i32_0 = arith.constant 0 : i32
    return %arg0, %c0_i32 : i32, i32
  }
  func.func @transform_3(%arg0: i32) -> (i32, i32) {
    %c0_i32 = arith.constant 0 : i32
    %c0_i32_0 = arith.constant 0 : i32
    return %arg0, %c0_i32 : i32, i32
  }
  func.func @transform_4(%arg0: i32) -> (i32, i32) {
    %c0_i32 = arith.constant 0 : i32
    %c0_i32_0 = arith.constant 0 : i32
    %c0_i32_1 = arith.constant 0 : i32
    return %c0_i32, %c0_i32_0 : i32, i32
  }
  func.func @transform_5(%arg0: i32) -> (i32, i32) {
    %c0_i32 = arith.constant 0 : i32
    %c0_i32_0 = arith.constant 0 : i32
    %c0_i32_1 = arith.constant 0 : i32
    return %c0_i32, %c0_i32_0 : i32, i32
  }
  func.func @transform_6(%arg0: i32) -> (i32, i32) {
    %c0_i32 = arith.constant 0 : i32
    %c0_i32_0 = arith.constant 0 : i32
    %c0_i32_1 = arith.constant 0 : i32
    return %c0_i32, %c0_i32_0 : i32, i32
  }
  func.func @transform_7(%arg0: i32) -> (i32, i32) {
    %c0_i32 = arith.constant 0 : i32
    %c0_i32_0 = arith.constant 0 : i32
    return %arg0, %c0_i32 : i32, i32
  }
}

module attributes {stable_mosaic.version = 14 : i64} {
  func.func @_tc2_body(%arg0: i32, %arg1: memref<2000x128xf32, #tpu.memory_space<vmem>>, %arg2: memref<2000x128xf32, #tpu.memory_space<vmem>>, %arg3: memref<2000x1xf32, #tpu.memory_space<vmem>>, %arg4: memref<2000x128xf32, #tpu.memory_space<vmem>>, %arg5: memref<128x128xf32, #tpu.memory_space<vmem>>, %arg6: memref<1x128xf32, #tpu.memory_space<vmem>>, %arg7: memref<128x128xf32, #tpu.memory_space<vmem>>, %arg8: memref<128x128xf32, #tpu.memory_space<vmem>>, %arg9: memref<1x128xf32, #tpu.memory_space<vmem>>, %arg10: memref<64x128xf32, #tpu.memory_space<vmem>>, %arg11: memref<1x64xf32, #tpu.memory_space<vmem>>, %arg12: memref<10x64xf32, #tpu.memory_space<vmem>>, %arg13: memref<1x10xf32, #tpu.memory_space<vmem>>, %arg14: memref<2000x10xf32, #tpu.memory_space<vmem>>, %arg15: memref<2000x128xf32, #tpu.memory_space<vmem>>) attributes {dimension_semantics = [#tpu.dimension_semantics<arbitrary>], iteration_bounds = array<i64: 5>, scalar_prefetch = 0 : i64, scratch_operands = 0 : i64, tpu.core_type = #tpu.core_type<tc>, window_params = [{transform_indices = @transform_0, window_bounds = array<i64: 2000, 128>}, {transform_indices = @transform_1, window_bounds = array<i64: 2000, 128>}, {transform_indices = @transform_2, window_bounds = array<i64: 2000, 1>}, {transform_indices = @transform_3, window_bounds = array<i64: 2000, 128>}, {pipeline_mode = #tpu.pipeline_mode<synchronous>, transform_indices = @transform_4, window_bounds = array<i64: 128, 128>}, {pipeline_mode = #tpu.pipeline_mode<synchronous>, transform_indices = @transform_5, window_bounds = array<i64: 1, 128>}, {pipeline_mode = #tpu.pipeline_mode<synchronous>, transform_indices = @transform_6, window_bounds = array<i64: 128, 128>}, {pipeline_mode = #tpu.pipeline_mode<synchronous>, transform_indices = @transform_7, window_bounds = array<i64: 128, 128>}, {pipeline_mode = #tpu.pipeline_mode<synchronous>, transform_indices = @transform_8, window_bounds = array<i64: 1, 128>}, {pipeline_mode = #tpu.pipeline_mode<synchronous>, transform_indices = @transform_9, window_bounds = array<i64: 64, 128>}, {pipeline_mode = #tpu.pipeline_mode<synchronous>, transform_indices = @transform_10, window_bounds = array<i64: 1, 64>}, {pipeline_mode = #tpu.pipeline_mode<synchronous>, transform_indices = @transform_11, window_bounds = array<i64: 10, 64>}, {pipeline_mode = #tpu.pipeline_mode<synchronous>, transform_indices = @transform_12, window_bounds = array<i64: 1, 10>}, {transform_indices = @transform_13, window_bounds = array<i64: 2000, 10>}, {transform_indices = @transform_14, window_bounds = array<i64: 2000, 128>}]} {
    %get3A = arith.constant 0 : index
    %get3A_0 = arith.constant 0 : index
    %get3A_1 = vector.load %arg3[%get3A, %get3A_0] : memref<2000x1xf32, #tpu.memory_space<vmem>>, vector<2000x1xf32>
    %max3A = arith.constant 1.000000e+00 : f32
    %max3A_2 = vector.broadcast %max3A : f32 to vector<2000x1xf32>
    %max3A_3 = arith.maximumf %get3A_1, %max3A_2 : vector<2000x1xf32>
    %get3A_4 = arith.constant 0 : index
    %get3A_5 = arith.constant 0 : index
    %get3A_6 = vector.load %arg1[%get3A_4, %get3A_5] : memref<2000x128xf32, #tpu.memory_space<vmem>>, vector<2000x128xf32>
    %get3A_7 = arith.constant 0 : index
    %get3A_8 = arith.constant 0 : index
    %get3A_9 = vector.load %arg2[%get3A_7, %get3A_8] : memref<2000x128xf32, #tpu.memory_space<vmem>>, vector<2000x128xf32>
    %add3A = arith.addf %get3A_6, %get3A_9 : vector<2000x128xf32>
    %div3A = vector.broadcast %max3A_3 : vector<2000x1xf32> to vector<2000x128xf32>
    %div3A_10 = arith.divf %add3A, %div3A : vector<2000x128xf32>
    %get3A_11 = arith.constant 0 : index
    %get3A_12 = arith.constant 0 : index
    %get3A_13 = vector.load %arg5[%get3A_11, %get3A_12] : memref<128x128xf32, #tpu.memory_space<vmem>>, vector<128x128xf32>
    %dot_general3A = arith.constant dense<0.000000e+00> : vector<2000x128xf32>
    %dot_general3A_14 = tpu.matmul %div3A_10, %get3A_13, %dot_general3A {dimension_numbers = #tpu.dot_dimension_numbers<[1], [1], [0], [0], [0, 0, 1, 0], [], []>, precision = #tpu.contract_precision<fp32>, transpose_lhs_hint = false} : vector<2000x128xf32>, vector<128x128xf32>, vector<2000x128xf32> -> vector<2000x128xf32>
    %get3A_15 = arith.constant 0 : index
    %get3A_16 = arith.constant 0 : index
    %get3A_17 = vector.load %arg6[%get3A_15, %get3A_16] : memref<1x128xf32, #tpu.memory_space<vmem>>, vector<1x128xf32>
    %add3A_18 = vector.broadcast %get3A_17 : vector<1x128xf32> to vector<2000x128xf32>
    %add3A_19 = arith.addf %dot_general3A_14, %add3A_18 : vector<2000x128xf32>
    %get3A_20 = arith.constant 0 : index
    %get3A_21 = arith.constant 0 : index
    %get3A_22 = vector.load %arg4[%get3A_20, %get3A_21] : memref<2000x128xf32, #tpu.memory_space<vmem>>, vector<2000x128xf32>
    %get3A_23 = arith.constant 0 : index
    %get3A_24 = arith.constant 0 : index
    %get3A_25 = vector.load %arg7[%get3A_23, %get3A_24] : memref<128x128xf32, #tpu.memory_space<vmem>>, vector<128x128xf32>
    %dot_general3A_26 = arith.constant dense<0.000000e+00> : vector<2000x128xf32>
    %dot_general3A_27 = tpu.matmul %get3A_22, %get3A_25, %dot_general3A_26 {dimension_numbers = #tpu.dot_dimension_numbers<[1], [1], [0], [0], [0, 0, 1, 0], [], []>, precision = #tpu.contract_precision<fp32>, transpose_lhs_hint = false} : vector<2000x128xf32>, vector<128x128xf32>, vector<2000x128xf32> -> vector<2000x128xf32>
    %add3A_28 = arith.addf %add3A_19, %dot_general3A_27 : vector<2000x128xf32>
    %max3A_29 = arith.constant 0.000000e+00 : f32
    %max3A_30 = vector.broadcast %max3A_29 : f32 to vector<2000x128xf32>
    %max3A_31 = arith.maximumf %add3A_28, %max3A_30 : vector<2000x128xf32>
    %swap3A = arith.constant 0 : index
    %swap3A_32 = arith.constant 0 : index
    %swap3A_33 = vector.load %arg15[%swap3A, %swap3A_32] : memref<2000x128xf32, #tpu.memory_space<vmem>>, vector<2000x128xf32>
    tpu.vector_store %arg15[%swap3A, %swap3A_32], %max3A_31 {strides = array<i32>} : memref<2000x128xf32, #tpu.memory_space<vmem>>, vector<2000x128xf32>,
    %get3A_34 = arith.constant 0 : index
    %get3A_35 = arith.constant 0 : index
    %get3A_36 = vector.load %arg8[%get3A_34, %get3A_35] : memref<128x128xf32, #tpu.memory_space<vmem>>, vector<128x128xf32>
    %dot_general3A_37 = arith.constant dense<0.000000e+00> : vector<2000x128xf32>
    %dot_general3A_38 = tpu.matmul %max3A_31, %get3A_36, %dot_general3A_37 {dimension_numbers = #tpu.dot_dimension_numbers<[1], [1], [0], [0], [0, 0, 1, 0], [], []>, precision = #tpu.contract_precision<fp32>, transpose_lhs_hint = false} : vector<2000x128xf32>, vector<128x128xf32>, vector<2000x128xf32> -> vector<2000x128xf32>
    %get3A_39 = arith.constant 0 : index
    %get3A_40 = arith.constant 0 : index
    %get3A_41 = vector.load %arg9[%get3A_39, %get3A_40] : memref<1x128xf32, #tpu.memory_space<vmem>>, vector<1x128xf32>
    %add3A_42 = vector.broadcast %get3A_41 : vector<1x128xf32> to vector<2000x128xf32>
    %add3A_43 = arith.addf %dot_general3A_38, %add3A_42 : vector<2000x128xf32>
    %max3A_44 = arith.constant 0.000000e+00 : f32
    %max3A_45 = vector.broadcast %max3A_44 : f32 to vector<2000x128xf32>
    %max3A_46 = arith.maximumf %add3A_43, %max3A_45 : vector<2000x128xf32>
    %get3A_47 = arith.constant 0 : index
    %get3A_48 = arith.constant 0 : index
    %get3A_49 = vector.load %arg10[%get3A_47, %get3A_48] : memref<64x128xf32, #tpu.memory_space<vmem>>, vector<64x128xf32>
    %dot_general3A_50 = arith.constant dense<0.000000e+00> : vector<2000x64xf32>
    %dot_general3A_51 = tpu.matmul %max3A_46, %get3A_49, %dot_general3A_50 {dimension_numbers = #tpu.dot_dimension_numbers<[1], [1], [0], [0], [0, 0, 1, 0], [], []>, precision = #tpu.contract_precision<fp32>, transpose_lhs_hint = false} : vector<2000x128xf32>, vector<64x128xf32>, vector<2000x64xf32> -> vector<2000x64xf32>
    %get3A_52 = arith.constant 0 : index
    %get3A_53 = arith.constant 0 : index
    %get3A_54 = vector.load %arg11[%get3A_52, %get3A_53] : memref<1x64xf32, #tpu.memory_space<vmem>>, vector<1x64xf32>
    %add3A_55 = vector.broadcast %get3A_54 : vector<1x64xf32> to vector<2000x64xf32>
    %add3A_56 = arith.addf %dot_general3A_51, %add3A_55 : vector<2000x64xf32>
    %max3A_57 = arith.constant 0.000000e+00 : f32
    %max3A_58 = vector.broadcast %max3A_57 : f32 to vector<2000x64xf32>
    %max3A_59 = arith.maximumf %add3A_56, %max3A_58 : vector<2000x64xf32>
    %get3A_60 = arith.constant 0 : index
    %get3A_61 = arith.constant 0 : index
    %get3A_62 = vector.load %arg12[%get3A_60, %get3A_61] : memref<10x64xf32, #tpu.memory_space<vmem>>, vector<10x64xf32>
    %dot_general3A_63 = arith.constant dense<0.000000e+00> : vector<2000x10xf32>
    %dot_general3A_64 = tpu.matmul %max3A_59, %get3A_62, %dot_general3A_63 {dimension_numbers = #tpu.dot_dimension_numbers<[1], [1], [0], [0], [0, 0, 1, 0], [], []>, precision = #tpu.contract_precision<fp32>, transpose_lhs_hint = false} : vector<2000x64xf32>, vector<10x64xf32>, vector<2000x10xf32> -> vector<2000x10xf32>
    %get3A_65 = arith.constant 0 : index
    %get3A_66 = arith.constant 0 : index
    %get3A_67 = vector.load %arg13[%get3A_65, %get3A_66] : memref<1x10xf32, #tpu.memory_space<vmem>>, vector<1x10xf32>
    %add3A_68 = vector.broadcast %get3A_67 : vector<1x10xf32> to vector<2000x10xf32>
    %add3A_69 = arith.addf %dot_general3A_64, %add3A_68 : vector<2000x10xf32>
    %swap3A_70 = arith.constant 0 : index
    %swap3A_71 = arith.constant 0 : index
    %swap3A_72 = vector.load %arg14[%swap3A_70, %swap3A_71] : memref<2000x10xf32, #tpu.memory_space<vmem>>, vector<2000x10xf32>
    tpu.vector_store %arg14[%swap3A_70, %swap3A_71], %add3A_69 {strides = array<i32>} : memref<2000x10xf32, #tpu.memory_space<vmem>>, vector<2000x10xf32>,
    return
  }
  func.func @transform_0(%arg0: i32) -> (i32, i32) {
    %c0_i32 = arith.constant 0 : i32
    %c0_i32_0 = arith.constant 0 : i32
    return %arg0, %c0_i32 : i32, i32
  }
  func.func @transform_1(%arg0: i32) -> (i32, i32) {
    %c0_i32 = arith.constant 0 : i32
    %c0_i32_0 = arith.constant 0 : i32
    return %arg0, %c0_i32 : i32, i32
  }
  func.func @transform_2(%arg0: i32) -> (i32, i32) {
    %c0_i32 = arith.constant 0 : i32
    %c0_i32_0 = arith.constant 0 : i32
    return %arg0, %c0_i32 : i32, i32
  }
  func.func @transform_3(%arg0: i32) -> (i32, i32) {
    %c0_i32 = arith.constant 0 : i32
    %c0_i32_0 = arith.constant 0 : i32
    return %arg0, %c0_i32 : i32, i32
  }
  func.func @transform_4(%arg0: i32) -> (i32, i32) {
    %c0_i32 = arith.constant 0 : i32
    %c0_i32_0 = arith.constant 0 : i32
    %c0_i32_1 = arith.constant 0 : i32
    return %c0_i32, %c0_i32_0 : i32, i32
  }
  func.func @transform_5(%arg0: i32) -> (i32, i32) {
    %c0_i32 = arith.constant 0 : i32
    %c0_i32_0 = arith.constant 0 : i32
    %c0_i32_1 = arith.constant 0 : i32
    return %c0_i32, %c0_i32_0 : i32, i32
  }
  func.func @transform_6(%arg0: i32) -> (i32, i32) {
    %c0_i32 = arith.constant 0 : i32
    %c0_i32_0 = arith.constant 0 : i32
    %c0_i32_1 = arith.constant 0 : i32
    return %c0_i32, %c0_i32_0 : i32, i32
  }
  func.func @transform_7(%arg0: i32) -> (i32, i32) {
    %c0_i32 = arith.constant 0 : i32
    %c0_i32_0 = arith.constant 0 : i32
    %c0_i32_1 = arith.constant 0 : i32
    return %c0_i32, %c0_i32_0 : i32, i32
  }
  func.func @transform_8(%arg0: i32) -> (i32, i32) {
    %c0_i32 = arith.constant 0 : i32
    %c0_i32_0 = arith.constant 0 : i32
    %c0_i32_1 = arith.constant 0 : i32
    return %c0_i32, %c0_i32_0 : i32, i32
  }
  func.func @transform_9(%arg0: i32) -> (i32, i32) {
    %c0_i32 = arith.constant 0 : i32
    %c0_i32_0 = arith.constant 0 : i32
    %c0_i32_1 = arith.constant 0 : i32
    return %c0_i32, %c0_i32_0 : i32, i32
  }
  func.func @transform_10(%arg0: i32) -> (i32, i32) {
    %c0_i32 = arith.constant 0 : i32
    %c0_i32_0 = arith.constant 0 : i32
    %c0_i32_1 = arith.constant 0 : i32
    return %c0_i32, %c0_i32_0 : i32, i32
  }
  func.func @transform_11(%arg0: i32) -> (i32, i32) {
    %c0_i32 = arith.constant 0 : i32
    %c0_i32_0 = arith.constant 0 : i32
    %c0_i32_1 = arith.constant 0 : i32
    return %c0_i32, %c0_i32_0 : i32, i32
  }
  func.func @transform_12(%arg0: i32) -> (i32, i32) {
    %c0_i32 = arith.constant 0 : i32
    %c0_i32_0 = arith.constant 0 : i32
    %c0_i32_1 = arith.constant 0 : i32
    return %c0_i32, %c0_i32_0 : i32, i32
  }
  func.func @transform_13(%arg0: i32) -> (i32, i32) {
    %c0_i32 = arith.constant 0 : i32
    %c0_i32_0 = arith.constant 0 : i32
    return %arg0, %c0_i32 : i32, i32
  }
  func.func @transform_14(%arg0: i32) -> (i32, i32) {
    %c0_i32 = arith.constant 0 : i32
    %c0_i32_0 = arith.constant 0 : i32
    return %arg0, %c0_i32 : i32, i32
  }
}

</mosaic_0001>

<sc_bundles>
// kernel: kernel.10.cloned.1.call-start
scs
__scs_entry_jumppad:
0x0: {  	(pc) =	sbr.rel $0x88, $3  }
0x1: {  	(tag) =	ssettag $0x0;
	lr =	simm.s32 $0x1  }
0x2: {  	[smem:$0x3F93] =	sst lr;
	_ =	strace $0xD0000000  }
0x3: {  	_ = 	snop  }
0x4: {  	_ = 	snop  }
0x5: {  	_ = 	snop  }
0x6: {  	_ = 	snop  }
0x7: {  	_ = 	snop  }
__scs_overlays_trampoline_lowered:
0x8: {  	[smem:$0x3FA2] =	sst s0  }
0x9: {  	[smem:$0x3FA3] =	sst s1  }
0xa: {  	[smem:$0x3FA4] =	sst s2  }
0xb: {  	[smem:$0x3FA5] =	sst s3  }
0xc: {  	[smem:$0x3FA6] =	sst s4  }
0xd: {  	[smem:$0x3FA7] =	sst s5  }
0xe: {  	[smem:$0x3FA8] =	sst s6  }
0xf: {  	[smem:$0x3FA9] =	sst s7  }
0x10: {  	[smem:$0x3FAA] =	sst s8  }
0x11: {  	[smem:$0x3FAB] =	sst s9;
	s0 =	simm.s32 @!p0 $0x0  }
0x12: {  	s1 =	sld [smem:$0x3F91];
	s0 =	simm.s32 @p0 $0x1  }
0x13: {  	[smem:$0x3FAC] =	sst s0;
	s0 =	simm.s32 @!p1 $0x0  }
0x14: {  	s2 =	sld [smem:$0x3F90];
	s0 =	simm.s32 @p1 $0x1  }
0x15: {  	[smem:$0x3FAD] =	sst s0;
	s0 =	simm.s32 @!p2 $0x0  }
0x16: {  	s3 =	sld [smem:$0x3FDB];
	s0 =	simm.s32 @p2 $0x1  }
0x17: {  	s4 =	simm.s32 $0x1BF5;
	[smem:$0x3FAF] =	sst s0  }
0x18: {  	s0 =	sld [smem:$0x3F92];
	_ =	swait.ge [sflag:s4], $0x0  }
0x19: {  	s7 =	sld [smem:$0x3F93]  }
0x1a: {  	s8 =	sadd.s32 $0xFFFFE003, lr  }
0x1b: {  	s9 =	sadd.s32 $0xFFFFFEF7, lr;
	s5 =	simm.s32 $0xFFFFFFFF;
	p2 =	slt.u32 s8, $0xFFFFF086  }
0x1c: {  	p1 =	slt.u32 s9, $0xF7A;
	s5 =	simm.s32 @!p2 $0x0  }
0x1d: {  	s5 =	simm.s32 @p1 $0x1;
	p0 =	seq.s32 s7, s2  }
0x1e: {  	s7 =	smul.u32 @!p0 $0xF7A, s2;
	p2 =	seq.s32 @!p0 s5, $0x0  }
0x1f: {  	s9 =	smul.u32 $0xF7A, s1;
	s8 =	simm.s32 @!p0 $0x1BF5;
	p2 =	por !p2, p0  }
0x20: {  	[sflag:s8] =	ssyncset.s32 @!p0 $0xFFFFF086;
	s6 =	sadd.s32 @!p0 s3, s7;
	s7 =	simm.s32 @!p0 $0x108  }
0x21: {  	s3 =	sadd.s32 s3, s9;
	s6 =	sadd.s32 @!p0 $0x88, s6;
	s7 =	simm.s32 @p2 $0x1082  }
0x22: {  	[simem:s7], [sflag:s8] =	dma.local @!p0 [hbm:s6], $0xF7A  }
0x23: {  	s9 =	sor.u32 $0xD0000000, s2;
	s6 =	simm.s32 $0x108;
	_ =	swait.ge @!p0 [sflag:s8], $0x0  }
0x24: {  	s3 =	sadd.s32 $0x88, s3;
	s6 =	simm.s32 @!p1 $0x1082;
	[sflag:s4] =	ssyncset.s32 $0xFFFFF086  }
0x25: {  	[simem:s6], [sflag:s4] =	dma.local [hbm:s3], $0xF7A  }
0x26: {  	[smem:$0x3F93] =	sst s1;
	(tag) =	ssettag s2;
	_ =	strace s9  }
0x27: {  	s1 =	sld [smem:$0x3FA3]  }
0x28: {  	s2 =	sld [smem:$0x3FA4]  }
0x29: {  	s4 =	sld [smem:$0x3FA6]  }
0x2a: {  	p0 =	seq.s32 s5, $0x0;
	s5 =	sld [smem:$0x3FA7]  }
0x2b: {  	s6 =	sld [smem:$0x3FA8]  }
0x2c: {  	s7 =	sld [smem:$0x3FA9]  }
0x2d: {  	s3 =	simm.s32 $0x108;
	s8 =	sld [smem:$0x3FAA]  }
0x2e: {  	s3 =	simm.s32 @!p0 $0x1082;
	s9 =	sld [smem:$0x3FAB]  }
0x2f: {  	lr =	sadd.s32 s0, s3;
	s0 =	sld [smem:$0x3FA2]  }
0x30: {  	s3 =	sld [smem:$0x3FA5]  }
0x31: {  	[smem:$0x3FAE] =	sst s10  }
0x32: {  	s10 =	sld [smem:$0x3FAC];
	_ =	sdelay $0x3  }
0x33: {  	p0 =	seq.s32 s10, $0x1;
	s10 =	sld [smem:$0x3FAE];
	_ =	sdelay $0x3  }
0x34: {  	[smem:$0x3FAE] =	sst s10  }
0x35: {  	s10 =	sld [smem:$0x3FAD];
	_ =	sdelay $0x3  }
0x36: {  	p1 =	seq.s32 s10, $0x1;
	s10 =	sld [smem:$0x3FAE];
	_ =	sdelay $0x3  }
0x37: {  	[smem:$0x3FAE] =	sst s10  }
0x38: {  	s10 =	sld [smem:$0x3FAF]  }
0x39: {  	_ = 	snop;
	(pc) =	sbr.ind lr, $3  }
0x3a: {  	_ = 	snop  }
0x3b: {  	_ = 	snop  }
0x3c: {  	p2 =	seq.s32 s10, $0x1;
	s10 =	sld [smem:$0x3FAE]  }
0x3d: {  	_ =	shalt  }
0x3e: {  	_ =	shalt  }
0x3f: {  	_ =	shalt  }
0x40: {  	_ =	shalt  }
0x41: {  	_ =	shalt  }
0x42: {  	_ =	shalt  }
0x43: {  	_ =	shalt  }
0x44: {  	_ =	shalt  }
0x45: {  	_ =	shalt  }
0x46: {  	_ =	shalt  }
0x47: {  	_ =	shalt  }
0x48: {  	_ =	shalt  }
0x49: {  	_ =	shalt  }
0x4a: {  	_ =	shalt  }
0x4b: {  	_ =	shalt  }
0x4c: {  	_ =	shalt  }
0x4d: {  	_ =	shalt  }
0x4e: {  	_ =	shalt  }
0x4f: {  	_ =	shalt  }
0x50: {  	_ =	shalt  }
0x51: {  	_ =	shalt  }
0x52: {  	_ =	shalt  }
0x53: {  	_ =	shalt  }
0x54: {  	_ =	shalt  }
0x55: {  	_ =	shalt  }
0x56: {  	_ =	shalt  }
0x57: {  	_ =	shalt  }
0x58: {  	_ =	shalt  }
0x59: {  	_ =	shalt  }
0x5a: {  	_ =	shalt  }
0x5b: {  	_ =	shalt  }
0x5c: {  	_ =	shalt  }
0x5d: {  	_ =	shalt  }
0x5e: {  	_ =	shalt  }
0x5f: {  	_ =	shalt  }
0x60: {  	_ =	shalt  }
0x61: {  	_ =	shalt  }
0x62: {  	_ =	shalt  }
0x63: {  	_ =	shalt  }
0x64: {  	_ =	shalt  }
0x65: {  	_ =	shalt  }
0x66: {  	_ =	shalt  }
0x67: {  	_ =	shalt  }
0x68: {  	_ =	shalt  }
0x69: {  	_ =	shalt  }
0x6a: {  	_ =	shalt  }
0x6b: {  	_ =	shalt  }
0x6c: {  	_ =	shalt  }
0x6d: {  	_ =	shalt  }
0x6e: {  	_ =	shalt  }
0x6f: {  	_ =	shalt  }
0x70: {  	_ =	shalt  }
0x71: {  	_ =	shalt  }
0x72: {  	_ =	shalt  }
0x73: {  	_ =	shalt  }
0x74: {  	_ =	shalt  }
0x75: {  	_ =	shalt  }
0x76: {  	_ =	shalt  }
0x77: {  	_ =	shalt  }
0x78: {  	_ =	shalt  }
0x79: {  	_ =	shalt  }
0x7a: {  	_ =	shalt  }
0x7b: {  	_ =	shalt  }
0x7c: {  	_ =	shalt  }
0x7d: {  	_ =	shalt  }
0x7e: {  	_ =	shalt  }
0x7f: {  	_ =	shalt  }
0x80: {  	_ =	shalt  }
0x81: {  	_ =	shalt  }
0x82: {  	_ =	shalt  }
0x83: {  	_ =	shalt  }
0x84: {  	_ =	shalt  }
0x85: {  	_ =	shalt  }
0x86: {  	_ =	shalt  }
0x87: {  	_ =	shalt  }
.Lfunc_end0:
.L_simem_size_0:
called_computation.1_lowered:
.L_overlay_start_0:
0x88: {  	s2 =	sld [smem:$0x3FD9]  }
0x89: {  	s3 =	sld [smem:$0x3FFE];
	_ =	sdelay $0x1  }
0x8a: {  	s1 =	srdreg.scid  }
0x8b: {  	s0 =	sand.u32 $0x1, s1  }
0x8c: {  	s14 =	sshll.u32 s0, $0xA;
	s2 =	sadd.s32 s3, s2  }
0x8d: {  	s2 =	sadd.s32 s2, s14  }
0x8e: {  	[smem:$0x3FBA] =	sst s2  }
0x8f: {  	_ = 	snop  }
0x90: {  	s2 =	sld [smem:$0x3FD0];
	_ =	sdelay $0x2  }
0x91: {  	s15 =	simm.s32 $0xA;
	s4 =	simm.s32 $0x10  }
0x92: {  	[smem:s4], [sflag:s15] =	dma.local [hbm:s2], $0x1  }
0x93: {  	_ =	swait.eq [sflag:s15], $0x1  }
0x94: {  	[sflag:s15] =	ssyncset.done $0x0  }
0x95: {  	[sflag:s15] =	ssyncadd.s32 $0xFFFFFFFF  }
0x96: {  	s16 =	sld [smem:$0x11];
	(tm) =	ssettm $0x1  }
0x97: {  	s17 =	sld [smem:$0x3FFB];
	_ =	sdelay $0x3  }
0x98: {  	_ =	strace s17  }
0x99: {  	s3 =	sld [smem:$0x3FFC];
	_ =	sdelay $0x3  }
0x9a: {  	_ =	strace s3  }
0x9b: {  	s3 =	sld [smem:$0x3FFD];
	_ =	sdelay $0x3  }
0x9c: {  	_ =	strace s3  }
0x9d: {  	_ =	strace $0x8FFFFFFF  }
0x9e: {  	s18 =	sld [smem:$0x3FDB];
	_ =	sdelay $0x1  }
0x9f: {  	s19 =	simm.s32 $_scs_section_size  }
0xa0: {  	s5 =	simm.s32 $_size__tile_overlayer_lowered;
	s6 =	simm.s32 $_tile_overlayer_lowered  }
0xa1: {  	s22 =	simm.s32 $0x1BFF;
	s21 =	sshll.u32 s6, $0x1;
	s3 =	sadd.s32 s19, s18  }
0xa2: {  	s7 =	simm.s32 $0x0;
	s20 =	sshll.u32 s5, $0x1;
	s5 =	sadd.s32 s21, s3  }
0xa3: {  	[timem:s7], [sflag:s22] =	dma.local [hbm:s5], s20  }
0xa4: {  	_ =	swait.ge [sflag:s22], s20  }
0xa5: {  	s4 =	ssub.s32 $0x0, s20;
	[sflag:s22] =	ssyncset.done $0x0  }
0xa6: {  	[sflag:s22] =	ssyncadd.s32 s4;
	_ =	sdelay $0x1  }
0xa7: {  	s23 =	simm.s32 $0x1B8B  }
0xa8: {  	_ =	swait.ge [sflag:s23], $0x1  }
0xa9: {  	[sflag:s23] =	ssyncset.done $0x0  }
0xaa: {  	s25 =	simm.s32 $0x1B8E;
	s24 =	sld [smem:$0x3FFE];
	[sflag:s23] =	ssyncadd.s32 $0xFFFFFFFF  }
0xab: {  	s26 =	simm.s32 $execute0_lowered;
	[smem:$0x3FD2] =	sst s25  }
0xac: {  	s5 =	sshll.u32 s26, $0x1;
	_ =	strace $0x80000049;
	[dreg:$0x1] =	wrdreg $0xFFFFFFFF  }
0xad: {  	s28 =	simm.s32 $_size_execute0_lowered;
	s3 =	sadd.s32 s3, s5;
	[dreg:$0x0] =	wrdreg $0x0  }
0xae: {  	s5 =	sshll.u32 s28, $0x1;
	[dreg:$0x2] =	wrdreg s3  }
0xaf: {  	[dreg:$0x3] =	wrdreg s5  }
0xb0: {  	[dreg:$0x4] =	wrdreg $0xC0  }
0xb1: {  	_ =	task [dreg:s7], $0x5FFFF  }
0xb2: {  	[dreg:$0x1] =	wrdreg $0xFFFFFFFF  }
0xb3: {  	[dreg:$0x0] =	wrdreg $0x60  }
0xb4: {  	[dreg:$0x2] =	wrdreg s16  }
0xb5: {  	[dreg:$0x3] =	wrdreg s24  }
0xb6: {  	[dreg:$0x4] =	wrdreg $0x0  }
0xb7: {  	[dreg:$0x5] =	wrdreg $0x9  }
0xb8: {  	_ =	task.clear_ibuf [dreg:s7], $0x6FFFF;
	_ =	strace $0x90000049  }
0xb9: {  	s29 =	simm.s32 $0x9;
	_ =	strace $0x8000004B  }
0xba: {  	_ =	swait.ge [sflag:s29], $0x1  }
0xbb: {  	[sflag:s29] =	ssyncadd.s32 $0xFFFFFFFF  }
0xbc: {  	_ =	strace $0x9000004B  }
0xbd: {  	_ =	sfence  }
0xbe: {  	s30 =	sld [smem:$0x0];
	_ =	sdelay $0x2  }
0xbf: {  	s31 =	sshll.u32 s1, $0xD;
	s1 =	sshrl.u32 s1, $0x2  }
0xc0: {  	s3 =	sand.u32 $0x4000, s31;
	s1 =	sadd.s32 s1, s30  }
0xc1: {  	s0 =	sor.u32 s3, s0;
	s1 =	sshll.u32 s1, $0x11  }
0xc2: {  	s0 =	sor.u32 s1, s0  }
0xc3: {  	s0 =	sadd.s32 $0x8F2B, s0  }
0xc4: {  	[sflag:s0] =	ssyncadd.remote.s32 $0x1  }
0xc5: {  	_ =	sfence.sel $0xFFFF  }
0xc6: {  	[dreg:$0x0] =	wrdreg $0xFFFFFFFF;
	(pc) =	sbr.abs _section_cstart, $3  }
0xc7: {  	[dreg:$0x1] =	wrdreg $0xFFFFFFFF  }
0xc8: {  	_ =	task.clear_ibuf [dreg:s7], $0x2FFFF;
	_ =	strace $0x9FFFFFFF  }
0xc9: {  	(tm) =	ssettm $0x7FFFFFFF  }
tec
execute0_lowered:
.L_overlay_start_1:
0x0: {  	(tag) =	ssettag $0x1  }
0x1: {  	s1 =	rddreg [dreg:$0x0]  }
0x2: {  	s0 =	rddreg [dreg:$0x1]  }
0x3: {  	s3 =	rddreg [dreg:$0x2]  }
0x4: {  	s4 =	simm.s32 $0x0;
	s2 =	stileid.u32;
	s7 =	srdreg.scid  }
0x5: {  	s13 =	simm.s32 $0x67800;
	s14 =	simm.s32 $0x14000;
	s15 =	simm.s32 $0x15400  }
0x6: {  	s16 =	simm.s32 $0x80;
	s17 =	simm.s32 $0x16800;
	s18 =	simm.s32 $0x15480  }
0x7: {  	s19 =	simm.s32 $0x1A800;
	s20 =	simm.s32 $0x3;
	s21 =	simm.s32 $0x1  }
0x8: {  	s22 =	simm.s32 $0x15500;
	s23 =	simm.s32 $0x4;
	s24 =	simm.s32 $0x14080  }
0x9: {  	s28 =	simm.s32 $0x15300;
	s29 =	simm.s32 $0x15380;
	s30 =	simm.s32 $0x0  }
0xa: {  	[smem:$0x7FF] =	sst s4;
	s6 =	smul.u32 $0x2800, s2;
	s5 =	sadd.s32 $0x3800, s0  }
0xb: {  	s7 =	sand.u32 $0x1, s7;
	s8 =	smul.u32 $0x50000, s2;
	s31 =	sshll.u32 s2, $0x6  }
0xc: {  	_ =	strace $0x8000004A;
	s25 =	ssub.s32 $0x2, s7;
	s10 =	sshll.u32 s7, $0x4  }
0xd: {  	p0 =	seq.s32 s7, $0x1;
	s11 =	sadd.s32 s6, s0;
	s6 =	sadd.s32 $0xD800, s0  }
0xe: {  	s9 =	sshrl.u32 s25, $0x1;
	s8 =	sshrl.u32 s8, $0x2;
	s26 =	sor.u32 s2, s10  }
0xf: {  	s13 =	simm.s32 @!p0 $0x3F800;
	s0 =	ssub.s32 s25, s9;
	s12 =	sadd.s32 s8, s3  }
0x10: {  	s7 =	sadd.s32 $0x17800, s11;
	s8 =	sor.u32 $0x1C05, s31;
	s9 =	smul.u32 $0x50, s26  }
0x11: {  	s11 =	sadd.s32 s13, s11;
	s13 =	simm.s32 $0x5;
	s25 =	simm.s32 $0x2  }
0x12: {  	s26 =	simm.s32 $0x16780;
	s10 =	smax.u32 s0, $0x1;
	s12 =	sshrl.u32 s12, $0x3  }
.LBB2_1:
0x13: {  	[spmem:s12], [sflag:s8] =	dma.local [hbm:s7], $0x2800  }
0x14: {  	_ =	swait.ge [sflag:s13], $0x2800  }
0x15: {  	[sflag:s13] =	ssyncset.done $0x0  }
0x16: {  	[sflag:s13] =	ssyncadd.s32 $0xFFFFD800  }
0x17: {  	p1 =	por $0x1, $0x1;
	s0 =	simm.s32 $0x0;
	[bflag:$0x0] =	sbarrier.arrive $0xFFFF  }
.LBB2_2:
0x18: {  	s0 =	sadd.s32 s9, s0  }
0x19: {  	s0 =	sshll.u32 s0, $0x4  }
0x1a: {  	s31 =	sadd.s32 s5, s0  }
0x1b: {  	[tilespmem:s14], [sflag:$0x5] =	stream.linear.gather [hbm4b:s31+s4], $0x1400, $0x38;
	[tilespmem:$0x1E800] =	vst v63  }
0x1c: {  	_ =	swait.ge [sflag:s13], $0x1400  }
0x1d: {  	[sflag:s13] =	ssyncset.done $0x0  }
0x1e: {  	s0 =	sadd.s32 s6, s0;
	[sflag:s13] =	ssyncadd.s32 $0xFFFFEC00  }
0x1f: {  	[tilespmem:s15], [sflag:$0x5] =	stream.linear.gather [hbm4b:s0+s4], $0x1400, $0x38;
	[tilespmem:$0x1E800] =	vst v63  }
0x20: {  	_ =	swait.ge [sflag:s13], $0x1400  }
0x21: {  	[sflag:s13] =	ssyncset.done $0x0  }
0x22: {  	[sflag:s13] =	ssyncadd.s32 $0xFFFFEC00  }
0x23: {  	[tilespmem:s17], [sflag:$0x3] =	stream.indirect.gather [hbm4b:s1+s16], $0x80, s15, s16, $0xb8;
	[tilespmem:$0x1E800] =	vst v63  }
0x24: {  	_ = 	snop  }
0x25: {  	[tilespmem:s19], [sflag:$0x4] =	stream.indirect.gather [hbm4b:s1+s16], $0x80, s18, s16, $0xb8;
	[tilespmem:$0x1E800] =	vst v63  }
0x26: {  	_ =	swait.ge [sflag:s20], $0x4000  }
0x27: {  	[sflag:s20] =	ssyncset.done $0x0  }
0x28: {  	[sflag:s20] =	ssyncadd.s32 $0xFFFFC000  }
0x29: {  	[spmem:s3] =	stream.indirect.scatter.add.f32 [tilespmem:s17], [sflag:$0x1], $0x80, s14, s16, $0xb8;
	[tilespmem:$0x1E800] =	vst v63  }
0x2a: {  	_ =	swait.ge [sflag:s21], $0x4000  }
0x2b: {  	[sflag:s21] =	ssyncset.done $0x0  }
0x2c: {  	[sflag:s21] =	ssyncadd.s32 $0xFFFFC000  }
0x2d: {  	[tilespmem:s17], [sflag:$0x3] =	stream.indirect.gather [hbm4b:s1+s16], $0x80, s22, s16, $0xb8;
	[tilespmem:$0x1E800] =	vst v63  }
0x2e: {  	_ =	swait.ge [sflag:s23], $0x4000  }
0x2f: {  	[sflag:s23] =	ssyncset.done $0x0  }
0x30: {  	[sflag:s23] =	ssyncadd.s32 $0xFFFFC000  }
0x31: {  	[spmem:s3] =	stream.indirect.scatter.add.f32 [tilespmem:s19], [sflag:$0x2], $0x80, s24, s16, $0xb8;
	[tilespmem:$0x1E800] =	vst v63  }
0x32: {  	_ =	swait.ge [sflag:s25], $0x4000  }
0x33: {  	[sflag:s25] =	ssyncset.done $0x0  }
0x34: {  	s2 =	simm.s32 $0x15580;
	[sflag:s25] =	ssyncadd.s32 $0xFFFFC000  }
0x35: {  	[tilespmem:s19], [sflag:$0x4] =	stream.indirect.gather [hbm4b:s1+s16], $0x80, s2, s16, $0xb8;
	[tilespmem:$0x1E800] =	vst v63  }
0x36: {  	_ =	swait.ge [sflag:s20], $0x4000  }
0x37: {  	[sflag:s20] =	ssyncset.done $0x0  }
0x38: {  	s2 =	simm.s32 $0x14100;
	[sflag:s20] =	ssyncadd.s32 $0xFFFFC000  }
0x39: {  	[spmem:s3] =	stream.indirect.scatter.add.f32 [tilespmem:s17], [sflag:$0x1], $0x80, s2, s16, $0xb8;
	[tilespmem:$0x1E800] =	vst v63  }
0x3a: {  	_ =	swait.ge [sflag:s21], $0x4000  }
0x3b: {  	[sflag:s21] =	ssyncset.done $0x0  }
0x3c: {  	s2 =	simm.s32 $0x15600;
	[sflag:s21] =	ssyncadd.s32 $0xFFFFC000  }
0x3d: {  	[tilespmem:s17], [sflag:$0x3] =	stream.indirect.gather [hbm4b:s1+s16], $0x80, s2, s16, $0xb8;
	[tilespmem:$0x1E800] =	vst v63  }
0x3e: {  	_ =	swait.ge [sflag:s23], $0x4000  }
0x3f: {  	p0 =	por p1, p1;
	[sflag:s23] =	ssyncset.done $0x0  }
0x40: {  	s31 =	simm.s32 $0xFFFFBC00;
	s0 =	simm.s32 $0x14180;
	[sflag:s23] =	ssyncadd.s32 $0xFFFFC000  }
.LBB2_3:
0x41: {  	[spmem:s3] =	stream.indirect.scatter.add.f32 [tilespmem:s19], [sflag:$0x2], $0x80, s0, s16, $0xb8;
	[tilespmem:$0x1E800] =	vst v63  }
0x42: {  	s0 =	smov.u32 s31  }
0x43: {  	p1 =	sne.s32 s31, $0xFFFFFC00;
	s31 =	sadd.s32 $0x400, s31;
	_ =	swait.ge [sflag:s25], $0x4000  }
0x44: {  	s0 =	sshra.s32 s0, $0x2;
	[sflag:s25] =	ssyncset.done $0x0  }
0x45: {  	s2 =	sadd.s32 $0x16780, s0;
	[sflag:s25] =	ssyncadd.s32 $0xFFFFC000  }
0x46: {  	[tilespmem:s19], [sflag:$0x4] =	stream.indirect.gather [hbm4b:s1+s16], $0x80, s2, s16, $0xb8;
	[tilespmem:$0x1E800] =	vst v63  }
0x47: {  	_ =	swait.ge [sflag:s20], $0x4000  }
0x48: {  	[sflag:s20] =	ssyncset.done $0x0  }
0x49: {  	s2 =	sadd.s32 $0x15300, s0;
	[sflag:s20] =	ssyncadd.s32 $0xFFFFC000  }
0x4a: {  	[spmem:s3] =	stream.indirect.scatter.add.f32 [tilespmem:s17], [sflag:$0x1], $0x80, s2, s16, $0xb8;
	[tilespmem:$0x1E800] =	vst v63  }
0x4b: {  	_ =	swait.ge [sflag:s21], $0x4000  }
0x4c: {  	[sflag:s21] =	ssyncset.done $0x0  }
.Ltmp0:
0x4d: {  	s2 =	sadd.s32 $0x16800, s0;
	[sflag:s21] =	ssyncadd.s32 $0xFFFFC000;
	(pc) =	sbr.rel @p1 .LBB2_3-.Ltmp0, $4  }
0x4e: {  	[tilespmem:s17], [sflag:$0x3] =	stream.indirect.gather [hbm4b:s1+s16], $0x80, s2, s16, $0xb8;
	[tilespmem:$0x1E800] =	vst v63  }
0x4f: {  	_ =	swait.ge [sflag:s23], $0x4000  }
0x50: {  	[sflag:s23] =	ssyncset.done $0x0  }
0x51: {  	s0 =	sadd.s32 $0x15380, s0;
	[sflag:s23] =	ssyncadd.s32 $0xFFFFC000  }
0x52: {  	[spmem:s3] =	stream.indirect.scatter.add.f32 [tilespmem:s19], [sflag:$0x2], $0x80, s0, s16, $0xb8;
	[tilespmem:$0x1E800] =	vst v63  }
0x53: {  	_ =	swait.ge [sflag:s25], $0x4000  }
0x54: {  	[sflag:s25] =	ssyncset.done $0x0  }
0x55: {  	[sflag:s25] =	ssyncadd.s32 $0xFFFFC000  }
0x56: {  	[tilespmem:s19], [sflag:$0x4] =	stream.indirect.gather [hbm4b:s1+s16], $0x80, s26, s16, $0xb8;
	[tilespmem:$0x1E800] =	vst v63  }
0x57: {  	_ =	swait.ge [sflag:s20], $0x4000  }
0x58: {  	[sflag:s20] =	ssyncset.done $0x0  }
0x59: {  	[sflag:s20] =	ssyncadd.s32 $0xFFFFC000  }
0x5a: {  	[spmem:s3] =	stream.indirect.scatter.add.f32 [tilespmem:s17], [sflag:$0x1], $0x80, s28, s16, $0xb8;
	[tilespmem:$0x1E800] =	vst v63  }
0x5b: {  	_ =	swait.ge [sflag:s23], $0x4000  }
0x5c: {  	[sflag:s23] =	ssyncset.done $0x0  }
0x5d: {  	[sflag:s23] =	ssyncadd.s32 $0xFFFFC000  }
0x5e: {  	[spmem:s3] =	stream.indirect.scatter.add.f32 [tilespmem:s19], [sflag:$0x2], $0x80, s29, s16, $0xb8;
	[tilespmem:$0x1E800] =	vst v63  }
0x5f: {  	_ =	swait.ge [sflag:s21], $0x4000  }
.Ltmp1:
0x60: {  	[sflag:s21] =	ssyncset.done $0x0;
	(pc) =	sbr.rel @p0 .LBB2_2-.Ltmp1, $4  }
0x61: {  	[sflag:s21] =	ssyncadd.s32 $0xFFFFC000  }
0x62: {  	_ =	swait.ge [sflag:s25], $0x4000  }
0x63: {  	[sflag:s25] =	ssyncset.done $0x0  }
0x64: {  	s0 =	simm.s32 $0x28;
	p1 =	por $0x0, $0x0;
	[sflag:s25] =	ssyncadd.s32 $0xFFFFC000  }
0x65: {  	s30 =	sadd.s32 $0x1, s30  }
0x66: {  	p0 =	sne.s32 s30, s10  }
.Ltmp2:
0x67: {  	[bflag:$0x0] =	sbarrier.arrive $0xFFFF;
	(pc) =	sbr.rel @p0 .LBB2_1-.Ltmp2, $4  }
0x68: {  	[hbm:s11], [sflag:s8] =	dma.local [spmem:s12], $0x2800  }
0x69: {  	_ =	swait.ge [sflag:s13], $0x2800  }
0x6a: {  	[sflag:s13] =	ssyncset.done $0x0  }
0x6b: {  	[sflag:s13] =	ssyncadd.s32 $0xFFFFD800  }
0x6c: {  	_ =	sfence.sel $0x180000  }
0x6d: {  	[bflag:$0x0] =	sbarrier.arrive $0xFFFF  }
0x6e: {  	_ =	strace $0x9000004A  }
0x6f: {  	s0 =	stileid.u32;
	[bflag:$0x2] =	sbarrier.arrive $0xFFFF  }
0x70: {  	p0 =	sne.s32 s0, $0x0;
	s0 =	rddreg [dreg:$0x3]  }
0x71: {  	s0 =	sadd.s32 @!p0 $0x100000, s0  }
0x72: {  	[sflag:s0] =	ssyncadd.tile.s32 @!p0 $0x1;
	_ =	shalt  }
.Lfunc_end2:
_tile_overlayer_lowered:
.L_overlay_start_2:
0x73: {  	(tag) =	ssettag $0x2  }
0x74: {  	s0 =	rddreg [dreg:$0x0];
	s2 =	stileid.u32  }
0x75: {  	s1 =	rddreg [dreg:$0x1];
	p0 =	sne.s32 s2, $0x0  }
0x76: {  	s3 =	rddreg [dreg:$0x2];
	[bflag:$0x3] =	sbarrier.arrive $0xFFFF;
	s2 =	simm.s32 @!p0 $0x1C05  }
0x77: {  	[timem:s3], [sflag:s2] =	dma.local @!p0 [hbm:s0], s1  }
0x78: {  	s0 =	simm.s32 @!p0 $0x5  }
0x79: {  	_ =	swait.ge @!p0 [sflag:s0], s1  }
0x7a: {  	s1 =	ssub.s32 @!p0 $0x0, s1;
	[sflag:s0] =	ssyncset.done @!p0 $0x0  }
0x7b: {  	[sflag:s0] =	ssyncadd.s32 @!p0 s1  }
0x7c: {  	[bflag:$0x3] =	sbarrier.arrive $0xFFFF  }
0x7d: {  	_ =	shalt  }

// kernel: kernel.7.cloned.1.call-start
scs
__scs_entry_jumppad:
0x0: {  	(pc) =	sbr.rel $0x88, $3  }
0x1: {  	(tag) =	ssettag $0x0;
	lr =	simm.s32 $0x1  }
0x2: {  	[smem:$0x3F93] =	sst lr;
	_ =	strace $0xD0000000  }
0x3: {  	_ = 	snop  }
0x4: {  	_ = 	snop  }
0x5: {  	_ = 	snop  }
0x6: {  	_ = 	snop  }
0x7: {  	_ = 	snop  }
__scs_overlays_trampoline_lowered:
0x8: {  	[smem:$0x3FA2] =	sst s0  }
0x9: {  	[smem:$0x3FA3] =	sst s1  }
0xa: {  	[smem:$0x3FA4] =	sst s2  }
0xb: {  	[smem:$0x3FA5] =	sst s3  }
0xc: {  	[smem:$0x3FA6] =	sst s4  }
0xd: {  	[smem:$0x3FA7] =	sst s5  }
0xe: {  	[smem:$0x3FA8] =	sst s6  }
0xf: {  	[smem:$0x3FA9] =	sst s7  }
0x10: {  	[smem:$0x3FAA] =	sst s8  }
0x11: {  	[smem:$0x3FAB] =	sst s9;
	s0 =	simm.s32 @!p0 $0x0  }
0x12: {  	s1 =	sld [smem:$0x3F91];
	s0 =	simm.s32 @p0 $0x1  }
0x13: {  	[smem:$0x3FAC] =	sst s0;
	s0 =	simm.s32 @!p1 $0x0  }
0x14: {  	s2 =	sld [smem:$0x3F90];
	s0 =	simm.s32 @p1 $0x1  }
0x15: {  	[smem:$0x3FAD] =	sst s0;
	s0 =	simm.s32 @!p2 $0x0  }
0x16: {  	s3 =	sld [smem:$0x3FDB];
	s0 =	simm.s32 @p2 $0x1  }
0x17: {  	s4 =	simm.s32 $0x1BF5;
	[smem:$0x3FAF] =	sst s0  }
0x18: {  	s0 =	sld [smem:$0x3F92];
	_ =	swait.ge [sflag:s4], $0x0  }
0x19: {  	s7 =	sld [smem:$0x3F93]  }
0x1a: {  	s8 =	sadd.s32 $0xFFFFE003, lr  }
0x1b: {  	s9 =	sadd.s32 $0xFFFFFEF7, lr;
	s5 =	simm.s32 $0xFFFFFFFF;
	p2 =	slt.u32 s8, $0xFFFFF086  }
0x1c: {  	p1 =	slt.u32 s9, $0xF7A;
	s5 =	simm.s32 @!p2 $0x0  }
0x1d: {  	s5 =	simm.s32 @p1 $0x1;
	p0 =	seq.s32 s7, s2  }
0x1e: {  	s7 =	smul.u32 @!p0 $0xF7A, s2;
	p2 =	seq.s32 @!p0 s5, $0x0  }
0x1f: {  	s9 =	smul.u32 $0xF7A, s1;
	s8 =	simm.s32 @!p0 $0x1BF5;
	p2 =	por !p2, p0  }
0x20: {  	[sflag:s8] =	ssyncset.s32 @!p0 $0xFFFFF086;
	s6 =	sadd.s32 @!p0 s3, s7;
	s7 =	simm.s32 @!p0 $0x108  }
0x21: {  	s3 =	sadd.s32 s3, s9;
	s6 =	sadd.s32 @!p0 $0x88, s6;
	s7 =	simm.s32 @p2 $0x1082  }
0x22: {  	[simem:s7], [sflag:s8] =	dma.local @!p0 [hbm:s6], $0xF7A  }
0x23: {  	s9 =	sor.u32 $0xD0000000, s2;
	s6 =	simm.s32 $0x108;
	_ =	swait.ge @!p0 [sflag:s8], $0x0  }
0x24: {  	s3 =	sadd.s32 $0x88, s3;
	s6 =	simm.s32 @!p1 $0x1082;
	[sflag:s4] =	ssyncset.s32 $0xFFFFF086  }
0x25: {  	[simem:s6], [sflag:s4] =	dma.local [hbm:s3], $0xF7A  }
0x26: {  	[smem:$0x3F93] =	sst s1;
	(tag) =	ssettag s2;
	_ =	strace s9  }
0x27: {  	s1 =	sld [smem:$0x3FA3]  }
0x28: {  	s2 =	sld [smem:$0x3FA4]  }
0x29: {  	s4 =	sld [smem:$0x3FA6]  }
0x2a: {  	p0 =	seq.s32 s5, $0x0;
	s5 =	sld [smem:$0x3FA7]  }
0x2b: {  	s6 =	sld [smem:$0x3FA8]  }
0x2c: {  	s7 =	sld [smem:$0x3FA9]  }
0x2d: {  	s3 =	simm.s32 $0x108;
	s8 =	sld [smem:$0x3FAA]  }
0x2e: {  	s3 =	simm.s32 @!p0 $0x1082;
	s9 =	sld [smem:$0x3FAB]  }
0x2f: {  	lr =	sadd.s32 s0, s3;
	s0 =	sld [smem:$0x3FA2]  }
0x30: {  	s3 =	sld [smem:$0x3FA5]  }
0x31: {  	[smem:$0x3FAE] =	sst s10  }
0x32: {  	s10 =	sld [smem:$0x3FAC];
	_ =	sdelay $0x3  }
0x33: {  	p0 =	seq.s32 s10, $0x1;
	s10 =	sld [smem:$0x3FAE];
	_ =	sdelay $0x3  }
0x34: {  	[smem:$0x3FAE] =	sst s10  }
0x35: {  	s10 =	sld [smem:$0x3FAD];
	_ =	sdelay $0x3  }
0x36: {  	p1 =	seq.s32 s10, $0x1;
	s10 =	sld [smem:$0x3FAE];
	_ =	sdelay $0x3  }
0x37: {  	[smem:$0x3FAE] =	sst s10  }
0x38: {  	s10 =	sld [smem:$0x3FAF]  }
0x39: {  	_ = 	snop;
	(pc) =	sbr.ind lr, $3  }
0x3a: {  	_ = 	snop  }
0x3b: {  	_ = 	snop  }
0x3c: {  	p2 =	seq.s32 s10, $0x1;
	s10 =	sld [smem:$0x3FAE]  }
0x3d: {  	_ =	shalt  }
0x3e: {  	_ =	shalt  }
0x3f: {  	_ =	shalt  }
0x40: {  	_ =	shalt  }
0x41: {  	_ =	shalt  }
0x42: {  	_ =	shalt  }
0x43: {  	_ =	shalt  }
0x44: {  	_ =	shalt  }
0x45: {  	_ =	shalt  }
0x46: {  	_ =	shalt  }
0x47: {  	_ =	shalt  }
0x48: {  	_ =	shalt  }
0x49: {  	_ =	shalt  }
0x4a: {  	_ =	shalt  }
0x4b: {  	_ =	shalt  }
0x4c: {  	_ =	shalt  }
0x4d: {  	_ =	shalt  }
0x4e: {  	_ =	shalt  }
0x4f: {  	_ =	shalt  }
0x50: {  	_ =	shalt  }
0x51: {  	_ =	shalt  }
0x52: {  	_ =	shalt  }
0x53: {  	_ =	shalt  }
0x54: {  	_ =	shalt  }
0x55: {  	_ =	shalt  }
0x56: {  	_ =	shalt  }
0x57: {  	_ =	shalt  }
0x58: {  	_ =	shalt  }
0x59: {  	_ =	shalt  }
0x5a: {  	_ =	shalt  }
0x5b: {  	_ =	shalt  }
0x5c: {  	_ =	shalt  }
0x5d: {  	_ =	shalt  }
0x5e: {  	_ =	shalt  }
0x5f: {  	_ =	shalt  }
0x60: {  	_ =	shalt  }
0x61: {  	_ =	shalt  }
0x62: {  	_ =	shalt  }
0x63: {  	_ =	shalt  }
0x64: {  	_ =	shalt  }
0x65: {  	_ =	shalt  }
0x66: {  	_ =	shalt  }
0x67: {  	_ =	shalt  }
0x68: {  	_ =	shalt  }
0x69: {  	_ =	shalt  }
0x6a: {  	_ =	shalt  }
0x6b: {  	_ =	shalt  }
0x6c: {  	_ =	shalt  }
0x6d: {  	_ =	shalt  }
0x6e: {  	_ =	shalt  }
0x6f: {  	_ =	shalt  }
0x70: {  	_ =	shalt  }
0x71: {  	_ =	shalt  }
0x72: {  	_ =	shalt  }
0x73: {  	_ =	shalt  }
0x74: {  	_ =	shalt  }
0x75: {  	_ =	shalt  }
0x76: {  	_ =	shalt  }
0x77: {  	_ =	shalt  }
0x78: {  	_ =	shalt  }
0x79: {  	_ =	shalt  }
0x7a: {  	_ =	shalt  }
0x7b: {  	_ =	shalt  }
0x7c: {  	_ =	shalt  }
0x7d: {  	_ =	shalt  }
0x7e: {  	_ =	shalt  }
0x7f: {  	_ =	shalt  }
0x80: {  	_ =	shalt  }
0x81: {  	_ =	shalt  }
0x82: {  	_ =	shalt  }
0x83: {  	_ =	shalt  }
0x84: {  	_ =	shalt  }
0x85: {  	_ =	shalt  }
0x86: {  	_ =	shalt  }
0x87: {  	_ =	shalt  }
.Lfunc_end0:
.L_simem_size_0:
called_computation_lowered:
.L_overlay_start_0:
0x88: {  	s2 =	sld [smem:$0x3FD9]  }
0x89: {  	s3 =	sld [smem:$0x3FFE];
	_ =	sdelay $0x1  }
0x8a: {  	s1 =	srdreg.scid  }
0x8b: {  	s0 =	sand.u32 $0x1, s1  }
0x8c: {  	s17 =	sshll.u32 s0, $0xA;
	s2 =	sadd.s32 s3, s2  }
0x8d: {  	s2 =	sadd.s32 s2, s17  }
0x8e: {  	[smem:$0x3FBA] =	sst s2  }
0x8f: {  	_ = 	snop  }
0x90: {  	s2 =	sld [smem:$0x3FC9];
	(tm) =	ssettm $0x1  }
0x91: {  	s18 =	sld [smem:$0x3FFB];
	_ =	sdelay $0x3  }
0x92: {  	_ =	strace s18  }
0x93: {  	s3 =	sld [smem:$0x3FFC];
	_ =	sdelay $0x3  }
0x94: {  	_ =	strace s3  }
0x95: {  	s3 =	sld [smem:$0x3FFD];
	_ =	sdelay $0x3  }
0x96: {  	_ =	strace s3  }
0x97: {  	_ =	strace $0x8FFFFFFF  }
0x98: {  	s19 =	sld [smem:$0x3FDB];
	_ =	sdelay $0x1  }
0x99: {  	s4 =	simm.s32 $_scs_section_size  }
0x9a: {  	s5 =	simm.s32 $_size__tile_overlayer_lowered;
	s6 =	simm.s32 $_tile_overlayer_lowered  }
0x9b: {  	s22 =	simm.s32 $0x1BFF;
	s21 =	sshll.u32 s6, $0x1;
	s3 =	sadd.s32 s4, s19  }
0x9c: {  	s7 =	simm.s32 $0x0;
	s20 =	sshll.u32 s5, $0x1;
	s5 =	sadd.s32 s21, s3  }
0x9d: {  	[timem:s7], [sflag:s22] =	dma.local [hbm:s5], s20  }
0x9e: {  	_ =	swait.ge [sflag:s22], s20  }
0x9f: {  	s4 =	ssub.s32 $0x0, s20;
	[sflag:s22] =	ssyncset.done $0x0  }
0xa0: {  	[sflag:s22] =	ssyncadd.s32 s4;
	_ =	sdelay $0x1  }
0xa1: {  	s23 =	simm.s32 $0x1B8B  }
0xa2: {  	_ =	swait.ge [sflag:s23], $0x1  }
0xa3: {  	[sflag:s23] =	ssyncset.done $0x0  }
0xa4: {  	s25 =	simm.s32 $0x1B8E;
	s24 =	sld [smem:$0x3FFE];
	[sflag:s23] =	ssyncadd.s32 $0xFFFFFFFF  }
0xa5: {  	s26 =	simm.s32 $execute0_lowered;
	[smem:$0x3FD2] =	sst s25  }
0xa6: {  	s5 =	sshll.u32 s26, $0x1;
	_ =	strace $0x80000046;
	[dreg:$0x1] =	wrdreg $0xFFFFFFFF  }
0xa7: {  	s28 =	simm.s32 $_size_execute0_lowered;
	s3 =	sadd.s32 s3, s5;
	[dreg:$0x0] =	wrdreg $0x0  }
0xa8: {  	s5 =	sshll.u32 s28, $0x1;
	[dreg:$0x2] =	wrdreg s3  }
0xa9: {  	[dreg:$0x3] =	wrdreg s5  }
0xaa: {  	[dreg:$0x4] =	wrdreg $0xC0  }
0xab: {  	_ =	task [dreg:s7], $0x5FFFF  }
0xac: {  	[dreg:$0x1] =	wrdreg $0xFFFFFFFF  }
0xad: {  	[dreg:$0x0] =	wrdreg $0x60  }
0xae: {  	[dreg:$0x2] =	wrdreg s2  }
0xaf: {  	[dreg:$0x3] =	wrdreg s24  }
0xb0: {  	[dreg:$0x4] =	wrdreg $0x0  }
0xb1: {  	[dreg:$0x5] =	wrdreg $0x9  }
0xb2: {  	_ =	task.clear_ibuf [dreg:s7], $0x6FFFF;
	_ =	strace $0x90000046  }
0xb3: {  	s29 =	simm.s32 $0x9;
	_ =	strace $0x80000048  }
0xb4: {  	_ =	swait.ge [sflag:s29], $0x1  }
0xb5: {  	[sflag:s29] =	ssyncadd.s32 $0xFFFFFFFF  }
0xb6: {  	_ =	strace $0x90000048  }
0xb7: {  	_ =	sfence  }
0xb8: {  	s30 =	sld [smem:$0x0];
	_ =	sdelay $0x2  }
0xb9: {  	s31 =	sshll.u32 s1, $0xD;
	s1 =	sshrl.u32 s1, $0x2  }
0xba: {  	s3 =	sand.u32 $0x4000, s31;
	s1 =	sadd.s32 s1, s30  }
0xbb: {  	s0 =	sor.u32 s3, s0;
	s1 =	sshll.u32 s1, $0x11  }
0xbc: {  	s0 =	sor.u32 s1, s0  }
0xbd: {  	s0 =	sadd.s32 $0x8F2B, s0  }
0xbe: {  	[sflag:s0] =	ssyncadd.remote.s32 $0x1  }
0xbf: {  	_ =	sfence.sel $0xFFFF  }
0xc0: {  	[dreg:$0x0] =	wrdreg $0xFFFFFFFF;
	(pc) =	sbr.abs _section_cstart, $3  }
0xc1: {  	[dreg:$0x1] =	wrdreg $0xFFFFFFFF  }
0xc2: {  	_ =	task.clear_ibuf [dreg:s7], $0x2FFFF;
	_ =	strace $0x9FFFFFFF  }
0xc3: {  	(tm) =	ssettm $0x7FFFFFFF  }
tec
execute0_lowered:
.L_overlay_start_1:
0x0: {  	(tag) =	ssettag $0x1  }
0x1: {  	s1 =	rddreg [dreg:$0x0]  }
0x2: {  	s0 =	rddreg [dreg:$0x1]  }
0x3: {  	s3 =	rddreg [dreg:$0x2]  }
0x4: {  	s4 =	simm.s32 $0x0;
	s2 =	stileid.u32;
	s7 =	srdreg.scid  }
0x5: {  	s13 =	simm.s32 $0x67800;
	s14 =	simm.s32 $0x14000;
	s15 =	simm.s32 $0x15400  }
0x6: {  	s16 =	simm.s32 $0x80;
	s17 =	simm.s32 $0x16800;
	s18 =	simm.s32 $0x15480  }
0x7: {  	s19 =	simm.s32 $0x1A800;
	s20 =	simm.s32 $0x3;
	s21 =	simm.s32 $0x1  }
0x8: {  	s22 =	simm.s32 $0x15500;
	s23 =	simm.s32 $0x4;
	s24 =	simm.s32 $0x14080  }
0x9: {  	s28 =	simm.s32 $0x15300;
	s29 =	simm.s32 $0x15380;
	s30 =	simm.s32 $0x0  }
0xa: {  	[smem:$0x7FF] =	sst s4;
	s6 =	smul.u32 $0x2800, s2;
	s5 =	sadd.s32 $0x3800, s0  }
0xb: {  	s7 =	sand.u32 $0x1, s7;
	s8 =	smul.u32 $0x50000, s2;
	s31 =	sshll.u32 s2, $0x6  }
0xc: {  	_ =	strace $0x80000047;
	s25 =	ssub.s32 $0x2, s7;
	s10 =	sshll.u32 s7, $0x4  }
0xd: {  	p0 =	seq.s32 s7, $0x1;
	s11 =	sadd.s32 s6, s0;
	s6 =	sadd.s32 $0xD800, s0  }
0xe: {  	s9 =	sshrl.u32 s25, $0x1;
	s8 =	sshrl.u32 s8, $0x2;
	s26 =	sor.u32 s2, s10  }
0xf: {  	s13 =	simm.s32 @!p0 $0x3F800;
	s0 =	ssub.s32 s25, s9;
	s12 =	sadd.s32 s8, s3  }
0x10: {  	s7 =	sadd.s32 $0x17800, s11;
	s8 =	sor.u32 $0x1C05, s31;
	s9 =	smul.u32 $0x50, s26  }
0x11: {  	s11 =	sadd.s32 s13, s11;
	s13 =	simm.s32 $0x5;
	s25 =	simm.s32 $0x2  }
0x12: {  	s26 =	simm.s32 $0x16780;
	s10 =	smax.u32 s0, $0x1;
	s12 =	sshrl.u32 s12, $0x3  }
.LBB2_1:
0x13: {  	[spmem:s12], [sflag:s8] =	dma.local [hbm:s7], $0x2800  }
0x14: {  	_ =	swait.ge [sflag:s13], $0x2800  }
0x15: {  	[sflag:s13] =	ssyncset.done $0x0  }
0x16: {  	[sflag:s13] =	ssyncadd.s32 $0xFFFFD800  }
0x17: {  	p1 =	por $0x1, $0x1;
	s0 =	simm.s32 $0x0;
	[bflag:$0x0] =	sbarrier.arrive $0xFFFF  }
.LBB2_2:
0x18: {  	s0 =	sadd.s32 s9, s0  }
0x19: {  	s0 =	sshll.u32 s0, $0x4  }
0x1a: {  	s31 =	sadd.s32 s5, s0  }
0x1b: {  	[tilespmem:s14], [sflag:$0x5] =	stream.linear.gather [hbm4b:s31+s4], $0x1400, $0x38;
	[tilespmem:$0x1E800] =	vst v63  }
0x1c: {  	_ =	swait.ge [sflag:s13], $0x1400  }
0x1d: {  	[sflag:s13] =	ssyncset.done $0x0  }
0x1e: {  	s0 =	sadd.s32 s6, s0;
	[sflag:s13] =	ssyncadd.s32 $0xFFFFEC00  }
0x1f: {  	[tilespmem:s15], [sflag:$0x5] =	stream.linear.gather [hbm4b:s0+s4], $0x1400, $0x38;
	[tilespmem:$0x1E800] =	vst v63  }
0x20: {  	_ =	swait.ge [sflag:s13], $0x1400  }
0x21: {  	[sflag:s13] =	ssyncset.done $0x0  }
0x22: {  	[sflag:s13] =	ssyncadd.s32 $0xFFFFEC00  }
0x23: {  	[tilespmem:s17], [sflag:$0x3] =	stream.indirect.gather [hbm4b:s1+s16], $0x80, s15, s16, $0xb8;
	[tilespmem:$0x1E800] =	vst v63  }
0x24: {  	_ = 	snop  }
0x25: {  	[tilespmem:s19], [sflag:$0x4] =	stream.indirect.gather [hbm4b:s1+s16], $0x80, s18, s16, $0xb8;
	[tilespmem:$0x1E800] =	vst v63  }
0x26: {  	_ =	swait.ge [sflag:s20], $0x4000  }
0x27: {  	[sflag:s20] =	ssyncset.done $0x0  }
0x28: {  	[sflag:s20] =	ssyncadd.s32 $0xFFFFC000  }
0x29: {  	[spmem:s3] =	stream.indirect.scatter.add.f32 [tilespmem:s17], [sflag:$0x1], $0x80, s14, s16, $0xb8;
	[tilespmem:$0x1E800] =	vst v63  }
0x2a: {  	_ =	swait.ge [sflag:s21], $0x4000  }
0x2b: {  	[sflag:s21] =	ssyncset.done $0x0  }
0x2c: {  	[sflag:s21] =	ssyncadd.s32 $0xFFFFC000  }
0x2d: {  	[tilespmem:s17], [sflag:$0x3] =	stream.indirect.gather [hbm4b:s1+s16], $0x80, s22, s16, $0xb8;
	[tilespmem:$0x1E800] =	vst v63  }
0x2e: {  	_ =	swait.ge [sflag:s23], $0x4000  }
0x2f: {  	[sflag:s23] =	ssyncset.done $0x0  }
0x30: {  	[sflag:s23] =	ssyncadd.s32 $0xFFFFC000  }
0x31: {  	[spmem:s3] =	stream.indirect.scatter.add.f32 [tilespmem:s19], [sflag:$0x2], $0x80, s24, s16, $0xb8;
	[tilespmem:$0x1E800] =	vst v63  }
0x32: {  	_ =	swait.ge [sflag:s25], $0x4000  }
0x33: {  	[sflag:s25] =	ssyncset.done $0x0  }
0x34: {  	s2 =	simm.s32 $0x15580;
	[sflag:s25] =	ssyncadd.s32 $0xFFFFC000  }
0x35: {  	[tilespmem:s19], [sflag:$0x4] =	stream.indirect.gather [hbm4b:s1+s16], $0x80, s2, s16, $0xb8;
	[tilespmem:$0x1E800] =	vst v63  }
0x36: {  	_ =	swait.ge [sflag:s20], $0x4000  }
0x37: {  	[sflag:s20] =	ssyncset.done $0x0  }
0x38: {  	s2 =	simm.s32 $0x14100;
	[sflag:s20] =	ssyncadd.s32 $0xFFFFC000  }
0x39: {  	[spmem:s3] =	stream.indirect.scatter.add.f32 [tilespmem:s17], [sflag:$0x1], $0x80, s2, s16, $0xb8;
	[tilespmem:$0x1E800] =	vst v63  }
0x3a: {  	_ =	swait.ge [sflag:s21], $0x4000  }
0x3b: {  	[sflag:s21] =	ssyncset.done $0x0  }
0x3c: {  	s2 =	simm.s32 $0x15600;
	[sflag:s21] =	ssyncadd.s32 $0xFFFFC000  }
0x3d: {  	[tilespmem:s17], [sflag:$0x3] =	stream.indirect.gather [hbm4b:s1+s16], $0x80, s2, s16, $0xb8;
	[tilespmem:$0x1E800] =	vst v63  }
0x3e: {  	_ =	swait.ge [sflag:s23], $0x4000  }
0x3f: {  	p0 =	por p1, p1;
	[sflag:s23] =	ssyncset.done $0x0  }
0x40: {  	s31 =	simm.s32 $0xFFFFBC00;
	s0 =	simm.s32 $0x14180;
	[sflag:s23] =	ssyncadd.s32 $0xFFFFC000  }
.LBB2_3:
0x41: {  	[spmem:s3] =	stream.indirect.scatter.add.f32 [tilespmem:s19], [sflag:$0x2], $0x80, s0, s16, $0xb8;
	[tilespmem:$0x1E800] =	vst v63  }
0x42: {  	s0 =	smov.u32 s31  }
0x43: {  	p1 =	sne.s32 s31, $0xFFFFFC00;
	s31 =	sadd.s32 $0x400, s31;
	_ =	swait.ge [sflag:s25], $0x4000  }
0x44: {  	s0 =	sshra.s32 s0, $0x2;
	[sflag:s25] =	ssyncset.done $0x0  }
0x45: {  	s2 =	sadd.s32 $0x16780, s0;
	[sflag:s25] =	ssyncadd.s32 $0xFFFFC000  }
0x46: {  	[tilespmem:s19], [sflag:$0x4] =	stream.indirect.gather [hbm4b:s1+s16], $0x80, s2, s16, $0xb8;
	[tilespmem:$0x1E800] =	vst v63  }
0x47: {  	_ =	swait.ge [sflag:s20], $0x4000  }
0x48: {  	[sflag:s20] =	ssyncset.done $0x0  }
0x49: {  	s2 =	sadd.s32 $0x15300, s0;
	[sflag:s20] =	ssyncadd.s32 $0xFFFFC000  }
0x4a: {  	[spmem:s3] =	stream.indirect.scatter.add.f32 [tilespmem:s17], [sflag:$0x1], $0x80, s2, s16, $0xb8;
	[tilespmem:$0x1E800] =	vst v63  }
0x4b: {  	_ =	swait.ge [sflag:s21], $0x4000  }
0x4c: {  	[sflag:s21] =	ssyncset.done $0x0  }
.Ltmp0:
0x4d: {  	s2 =	sadd.s32 $0x16800, s0;
	[sflag:s21] =	ssyncadd.s32 $0xFFFFC000;
	(pc) =	sbr.rel @p1 .LBB2_3-.Ltmp0, $4  }
0x4e: {  	[tilespmem:s17], [sflag:$0x3] =	stream.indirect.gather [hbm4b:s1+s16], $0x80, s2, s16, $0xb8;
	[tilespmem:$0x1E800] =	vst v63  }
0x4f: {  	_ =	swait.ge [sflag:s23], $0x4000  }
0x50: {  	[sflag:s23] =	ssyncset.done $0x0  }
0x51: {  	s0 =	sadd.s32 $0x15380, s0;
	[sflag:s23] =	ssyncadd.s32 $0xFFFFC000  }
0x52: {  	[spmem:s3] =	stream.indirect.scatter.add.f32 [tilespmem:s19], [sflag:$0x2], $0x80, s0, s16, $0xb8;
	[tilespmem:$0x1E800] =	vst v63  }
0x53: {  	_ =	swait.ge [sflag:s25], $0x4000  }
0x54: {  	[sflag:s25] =	ssyncset.done $0x0  }
0x55: {  	[sflag:s25] =	ssyncadd.s32 $0xFFFFC000  }
0x56: {  	[tilespmem:s19], [sflag:$0x4] =	stream.indirect.gather [hbm4b:s1+s16], $0x80, s26, s16, $0xb8;
	[tilespmem:$0x1E800] =	vst v63  }
0x57: {  	_ =	swait.ge [sflag:s20], $0x4000  }
0x58: {  	[sflag:s20] =	ssyncset.done $0x0  }
0x59: {  	[sflag:s20] =	ssyncadd.s32 $0xFFFFC000  }
0x5a: {  	[spmem:s3] =	stream.indirect.scatter.add.f32 [tilespmem:s17], [sflag:$0x1], $0x80, s28, s16, $0xb8;
	[tilespmem:$0x1E800] =	vst v63  }
0x5b: {  	_ =	swait.ge [sflag:s23], $0x4000  }
0x5c: {  	[sflag:s23] =	ssyncset.done $0x0  }
0x5d: {  	[sflag:s23] =	ssyncadd.s32 $0xFFFFC000  }
0x5e: {  	[spmem:s3] =	stream.indirect.scatter.add.f32 [tilespmem:s19], [sflag:$0x2], $0x80, s29, s16, $0xb8;
	[tilespmem:$0x1E800] =	vst v63  }
0x5f: {  	_ =	swait.ge [sflag:s21], $0x4000  }
.Ltmp1:
0x60: {  	[sflag:s21] =	ssyncset.done $0x0;
	(pc) =	sbr.rel @p0 .LBB2_2-.Ltmp1, $4  }
0x61: {  	[sflag:s21] =	ssyncadd.s32 $0xFFFFC000  }
0x62: {  	_ =	swait.ge [sflag:s25], $0x4000  }
0x63: {  	[sflag:s25] =	ssyncset.done $0x0  }
0x64: {  	s0 =	simm.s32 $0x28;
	p1 =	por $0x0, $0x0;
	[sflag:s25] =	ssyncadd.s32 $0xFFFFC000  }
0x65: {  	s30 =	sadd.s32 $0x1, s30  }
0x66: {  	p0 =	sne.s32 s30, s10  }
.Ltmp2:
0x67: {  	[bflag:$0x0] =	sbarrier.arrive $0xFFFF;
	(pc) =	sbr.rel @p0 .LBB2_1-.Ltmp2, $4  }
0x68: {  	[hbm:s11], [sflag:s8] =	dma.local [spmem:s12], $0x2800  }
0x69: {  	_ =	swait.ge [sflag:s13], $0x2800  }
0x6a: {  	[sflag:s13] =	ssyncset.done $0x0  }
0x6b: {  	[sflag:s13] =	ssyncadd.s32 $0xFFFFD800  }
0x6c: {  	_ =	sfence.sel $0x180000  }
0x6d: {  	[bflag:$0x0] =	sbarrier.arrive $0xFFFF  }
0x6e: {  	_ =	strace $0x90000047  }
0x6f: {  	s0 =	stileid.u32;
	[bflag:$0x2] =	sbarrier.arrive $0xFFFF  }
0x70: {  	p0 =	sne.s32 s0, $0x0;
	s0 =	rddreg [dreg:$0x3]  }
0x71: {  	s0 =	sadd.s32 @!p0 $0x100000, s0  }
0x72: {  	[sflag:s0] =	ssyncadd.tile.s32 @!p0 $0x1;
	_ =	shalt  }
.Lfunc_end2:
_tile_overlayer_lowered:
.L_overlay_start_2:
0x73: {  	(tag) =	ssettag $0x2  }
0x74: {  	s0 =	rddreg [dreg:$0x0];
	s2 =	stileid.u32  }
0x75: {  	s1 =	rddreg [dreg:$0x1];
	p0 =	sne.s32 s2, $0x0  }
0x76: {  	s3 =	rddreg [dreg:$0x2];
	[bflag:$0x3] =	sbarrier.arrive $0xFFFF;
	s2 =	simm.s32 @!p0 $0x1C05  }
0x77: {  	[timem:s3], [sflag:s2] =	dma.local @!p0 [hbm:s0], s1  }
0x78: {  	s0 =	simm.s32 @!p0 $0x5  }
0x79: {  	_ =	swait.ge @!p0 [sflag:s0], s1  }
0x7a: {  	s1 =	ssub.s32 @!p0 $0x0, s1;
	[sflag:s0] =	ssyncset.done @!p0 $0x0  }
0x7b: {  	[sflag:s0] =	ssyncadd.s32 @!p0 s1  }
0x7c: {  	[bflag:$0x3] =	sbarrier.arrive $0xFFFF  }
0x7d: {  	_ =	shalt  }

</sc_bundles>
